<compile_context>
chip_gen: v7x
topology: tpu7x:2x2x1
jax: 0.10.2.dev20260603
libtpu: 0.0.44.dev20260713+nightly
codegen_flags: <defaults>
</compile_context>

<pallas_src>
import functools

import jax
import jax.numpy as jnp
from jax import lax
from jax.experimental import pallas as pl
from jax.experimental.pallas import tpu as pltpu
from jax.experimental.pallas import tpu_sc as plsc

EPS = 1e-12


def _sc_gather(word_emb, idx2d, n_ch, ch):
    V, D = word_emb.shape
    info = plsc.get_sparse_core_info()
    NC, NS = info.num_cores, info.num_subcores
    NW = NC * NS
    B = NW * n_ch * ch
    mesh = plsc.VectorSubcoreMesh(core_axis_name="c", subcore_axis_name="s")

    @functools.partial(
        pl.kernel,
        mesh=mesh,
        out_type=jax.ShapeDtypeStruct((B, D), jnp.float32),
        scratch_types=[
            pltpu.VMEM((n_ch, ch), jnp.int32),
            pltpu.VMEM((ch, D), jnp.float32),
            pltpu.VMEM((ch, D), jnp.float32),
            pltpu.SemaphoreType.DMA,
            pltpu.SemaphoreType.DMA,
            pltpu.SemaphoreType.DMA,
            pltpu.SemaphoreType.DMA,
        ],
    )
    def k(table_hbm, idx_hbm, out_hbm, idx_v, buf0, buf1, g0, g1, o0, o1):
        wid = lax.axis_index("s") * NC + lax.axis_index("c")
        base = wid * (n_ch * ch)
        pltpu.sync_copy(idx_hbm.at[pl.ds(wid * n_ch, n_ch)], idx_v)
        bufs = (buf0, buf1)
        gsems = (g0, g1)
        osems = (o0, o1)
        gcp = [None] * n_ch
        ocp = [None] * n_ch
        for c in range(n_ch):
            if c >= 2:
                ocp[c - 2].wait()
            gcp[c] = pltpu.async_copy(
                table_hbm.at[idx_v.at[c]], bufs[c % 2], gsems[c % 2])
            if c >= 1:
                gcp[c - 1].wait()
                ocp[c - 1] = pltpu.async_copy(
                    bufs[(c - 1) % 2],
                    out_hbm.at[pl.ds(base + (c - 1) * ch, ch)],
                    osems[(c - 1) % 2])
        last = n_ch - 1
        gcp[last].wait()
        ocp[last] = pltpu.async_copy(
            bufs[last % 2], out_hbm.at[pl.ds(base + last * ch, ch)],
            osems[last % 2])
        if n_ch >= 2:
            ocp[last - 1].wait()
        ocp[last].wait()

    return k(word_emb, idx2d)


def _tc_finish(gath, tt3, pos_emb, type_emb, gamma2, beta2, tb):
    T, D = gath.shape
    P = pos_emb.shape[0]
    pos_blocks = P // tb
    batches = T // P

    def body(tt_ref, g_ref, pos_ref, type_ref, gam_ref, bet_ref, o_ref):
        tt = tt_ref[0, 0, :]
        typ = jnp.where((tt[:, None] == 0), type_ref[0, :][None, :],
                        type_ref[1, :][None, :])
        x = g_ref[...] + pos_ref[...] + typ
        mean = jnp.mean(x, axis=-1, keepdims=True)
        xc = x - mean
        var = jnp.mean(xc * xc, axis=-1, keepdims=True)
        inv = lax.rsqrt(var + EPS)
        o_ref[...] = xc * inv * gam_ref[0, :] + bet_ref[0, :]

    tok_blk = lambda i, j: (j * pos_blocks + i, 0)
    return pl.pallas_call(
        body,
        grid=(pos_blocks, batches),
        in_specs=[
            pl.BlockSpec((1, 1, tb), lambda i, j: (j * pos_blocks + i, 0, 0)),
            pl.BlockSpec((tb, D), tok_blk),
            pl.BlockSpec((tb, D), lambda i, j: (i, 0)),
            pl.BlockSpec((2, D), lambda i, j: (0, 0)),
            pl.BlockSpec((1, D), lambda i, j: (0, 0)),
            pl.BlockSpec((1, D), lambda i, j: (0, 0)),
        ],
        out_specs=pl.BlockSpec((tb, D), tok_blk),
        out_shape=jax.ShapeDtypeStruct((T, D), jnp.float32),
    )(tt3, gath, pos_emb, type_emb, gamma2, beta2)


def kernel(input_ids, token_type_ids, word_emb, pos_emb, type_emb, ln_gamma,
           ln_beta):
    B, S = input_ids.shape
    D = word_emb.shape[1]
    T = B * S

    n_ch, ch = 4, 64
    idx2d = input_ids.reshape(-1).astype(jnp.int32).reshape(-1, ch)
    gath = _sc_gather(word_emb, idx2d, n_ch, ch)

    tb = 256
    tt3 = token_type_ids.astype(jnp.int32).reshape(T // tb, 1, tb)
    out = _tc_finish(gath, tt3, pos_emb, type_emb,
                     ln_gamma.reshape(1, D), ln_beta.reshape(1, D), tb)
    return out.reshape(B, S, D)

# --- scband reference (transcript-rebuilt; emitter-appended) ---
"""Pipeline reference for scband-bert-embeddings-24206435680256 (READ-ONLY COPY).

The authoritative reference and input builder live on the scoring server;
editing this copy changes nothing except your own understanding.
"""

import jax, jax.numpy as jnp
import numpy as np

VOCAB = 100000
HIDDEN = 768
MAX_POS = 2048
TYPE_VOCAB = 2
BATCH = 4
SEQ = 2048
EPS = 1e-12


def setup_inputs(seed: int = 0) -> dict:
    key = jax.random.key(seed)
    k1, k2, k3, k4, k5 = jax.random.split(key, 5)
    input_ids = jax.random.randint(k1, (BATCH, SEQ), 0, VOCAB, dtype=jnp.int64 if jax.config.jax_enable_x64 else jnp.int32)
    token_type_ids = jax.random.randint(k2, (BATCH, SEQ), 0, TYPE_VOCAB, dtype=jnp.int64 if jax.config.jax_enable_x64 else jnp.int32)
    word_emb = jax.random.normal(k3, (VOCAB, HIDDEN), dtype=jnp.float32) * 0.02
    # padding_idx=0 -> zero row, matching nn.Embedding(padding_idx=0) init
    word_emb = word_emb.at[0].set(0.0)
    pos_emb = jax.random.normal(k4, (MAX_POS, HIDDEN), dtype=jnp.float32) * 0.02
    type_emb = jax.random.normal(k5, (TYPE_VOCAB, HIDDEN), dtype=jnp.float32) * 0.02
    ln_gamma = jnp.ones((HIDDEN,), dtype=jnp.float32)
    ln_beta = jnp.zeros((HIDDEN,), dtype=jnp.float32)
    return {
        "input_ids": input_ids,
        "token_type_ids": token_type_ids,
        "word_emb": word_emb,
        "pos_emb": pos_emb,
        "type_emb": type_emb,
        "ln_gamma": ln_gamma,
        "ln_beta": ln_beta,
    }


def reference(input_ids, token_type_ids, word_emb, pos_emb, type_emb, ln_gamma, ln_beta):
    seq_length = input_ids.shape[1]
    # word embedding lookup (gather)
    inputs_embeds = jnp.take(word_emb, input_ids, axis=0)
    # token type embedding lookup
    token_type_embeddings = jnp.take(type_emb, token_type_ids, axis=0)
    embeddings = inputs_embeds + token_type_embeddings
    # absolute position embeddings: position_ids = arange(seq_length) (past_key_values_length=0)
    position_ids = jnp.arange(seq_length)
    position_embeddings = jnp.take(pos_emb, position_ids, axis=0)[None, :, :]
    embeddings = embeddings + position_embeddings
    # LayerNorm over last dim, eps=1e-12
    mean = jnp.mean(embeddings, axis=-1, keepdims=True)
    var = jnp.mean(jnp.square(embeddings - mean), axis=-1, keepdims=True)
    normed = (embeddings - mean) / jnp.sqrt(var + EPS)
    out = normed * ln_gamma + ln_beta
    # dropout is identity in eval mode
    return out

if __name__ == "__main__":
    import jax
    _d = setup_inputs()
    print(jax.jit(kernel)(*tuple(_d.values())))

</pallas_src>

<mosaic_0001>
#map = affine_map<(d0, d1) -> (0, 0)>
module attributes {stable_mosaic.version = 14 : i64} {
  func.func @k(%arg0: i32, %arg1: i32, %arg2: memref<100000x768xf32, #tpu.memory_space<hbm>>, %arg3: memref<128x64xi32, #tpu.memory_space<hbm>>, %arg4: memref<8192x768xf32, #tpu.memory_space<hbm>>, %arg5: memref<4x64xi32, #tpu.memory_space<vmem>>, %arg6: memref<64x768xf32, #tpu.memory_space<vmem>>, %arg7: memref<64x768xf32, #tpu.memory_space<vmem>>, %arg8: memref<!tpu.dma_semaphore, #tpu.memory_space<semaphore_mem>>, %arg9: memref<!tpu.dma_semaphore, #tpu.memory_space<semaphore_mem>>, %arg10: memref<!tpu.dma_semaphore, #tpu.memory_space<semaphore_mem>>, %arg11: memref<!tpu.dma_semaphore, #tpu.memory_space<semaphore_mem>>) attributes {dimension_semantics = [#tpu.dimension_semantics<core_parallel>, #tpu.dimension_semantics<subcore_parallel>], iteration_bounds = array<i64: 2, 16>, scalar_prefetch = 0 : i64, scratch_operands = 7 : i64, tpu.core_type = #tpu.core_type<sc_vector_subcore>, window_params = [{transform_indices = #map}, {transform_indices = #map}, {transform_indices = #map}]} {
    %mul3A = arith.constant 2 : i32
    %mul3A_0 = arith.muli %arg1, %mul3A : i32
    %add3A = arith.addi %mul3A_0, %arg0 : i32
    %mul3A_1 = arith.constant 256 : i32
    %mul3A_2 = arith.muli %add3A, %mul3A_1 : i32
    %mul3A_3 = arith.constant 4 : i32
    %mul3A_4 = arith.muli %add3A, %mul3A_3 : i32
    "tpu.region"() ({
      %run_scoped3A = tpu.sem_alloc : memref<!tpu.dma_semaphore, #tpu.memory_space<semaphore_mem>>
      %dma_start3A_99 = arith.constant 0 : i32
      %dma_start3A_100 = tpu.memref_slice %arg3[%mul3A_4, %dma_start3A_99] : memref<128x64xi32, #tpu.memory_space<hbm>> -> memref<4x64xi32, #tpu.memory_space<hbm>>
      %dma_start3A_101 = arith.constant 0 : i32
      %dma_start3A_102 = tpu.memref_slice %arg3[%mul3A_4, %dma_start3A_101] : memref<128x64xi32, #tpu.memory_space<hbm>> -> memref<4x64xi32, #tpu.memory_space<hbm>>
      tpu.enqueue_dma source(%dma_start3A_102 : memref<4x64xi32, #tpu.memory_space<hbm>>) target(%arg5 : memref<4x64xi32, #tpu.memory_space<vmem>>) target_semaphore(%run_scoped3A : memref<!tpu.dma_semaphore, #tpu.memory_space<semaphore_mem>>)
      %dma_wait3A_103 = arith.constant 0 : i32
      %dma_wait3A_104 = tpu.memref_slice %arg3[%mul3A_4, %dma_wait3A_103] : memref<128x64xi32, #tpu.memory_space<hbm>> -> memref<4x64xi32, #tpu.memory_space<hbm>>
      %dma_wait3A_105 = arith.constant 0 : i32
      %dma_wait3A_106 = tpu.memref_slice %arg3[%mul3A_4, %dma_wait3A_105] : memref<128x64xi32, #tpu.memory_space<hbm>> -> memref<4x64xi32, #tpu.memory_space<hbm>>
      tpu.wait_dma2 semaphore(%run_scoped3A : memref<!tpu.dma_semaphore, #tpu.memory_space<semaphore_mem>>) src(%dma_wait3A_106 : memref<4x64xi32, #tpu.memory_space<hbm>>) dst(%arg5 : memref<4x64xi32, #tpu.memory_space<vmem>>)
      tpu.yield
    }) : () -> ()
    %dma_start3A = arith.constant 0 : i32
    %dma_start3A_5 = arith.constant 0 : i32
    %dma_start3A_6 = tpu.memref_slice %arg5[%dma_start3A, %dma_start3A_5] : memref<4x64xi32, #tpu.memory_space<vmem>> -> memref<1x64xi32, #tpu.memory_space<vmem>>
    %dma_start3A_7 = tpu.memref_squeeze %dma_start3A_6 : memref<1x64xi32, #tpu.memory_space<vmem>> -> memref<64xi32, #tpu.memory_space<vmem>>
    %dma_start3A_8 = arith.constant 0 : i32
    %dma_start3A_9 = arith.constant 0 : i32
    %dma_start3A_10 = tpu.memref_slice %arg2[%dma_start3A_8, %dma_start3A_9] : memref<100000x768xf32, #tpu.memory_space<hbm>> -> memref<100000x768xf32, #tpu.memory_space<hbm>>
    tpu.enqueue_indirect_dma source(%dma_start3A_10 : memref<100000x768xf32, #tpu.memory_space<hbm>>) target(%arg6 : memref<64x768xf32, #tpu.memory_space<vmem>>) offsets(%dma_start3A_7 : memref<64xi32, #tpu.memory_space<vmem>>) semaphore(%arg8 : memref<!tpu.dma_semaphore, #tpu.memory_space<semaphore_mem>>)
    %dma_start3A_11 = arith.constant 1 : i32
    %dma_start3A_12 = arith.constant 0 : i32
    %dma_start3A_13 = tpu.memref_slice %arg5[%dma_start3A_11, %dma_start3A_12] : memref<4x64xi32, #tpu.memory_space<vmem>> -> memref<1x64xi32, #tpu.memory_space<vmem>>
    %dma_start3A_14 = tpu.memref_squeeze %dma_start3A_13 : memref<1x64xi32, #tpu.memory_space<vmem>> -> memref<64xi32, #tpu.memory_space<vmem>>
    %dma_start3A_15 = arith.constant 0 : i32
    %dma_start3A_16 = arith.constant 0 : i32
    %dma_start3A_17 = tpu.memref_slice %arg2[%dma_start3A_15, %dma_start3A_16] : memref<100000x768xf32, #tpu.memory_space<hbm>> -> memref<100000x768xf32, #tpu.memory_space<hbm>>
    tpu.enqueue_indirect_dma source(%dma_start3A_17 : memref<100000x768xf32, #tpu.memory_space<hbm>>) target(%arg7 : memref<64x768xf32, #tpu.memory_space<vmem>>) offsets(%dma_start3A_14 : memref<64xi32, #tpu.memory_space<vmem>>) semaphore(%arg9 : memref<!tpu.dma_semaphore, #tpu.memory_space<semaphore_mem>>)
    %dma_wait3A = arith.constant 0 : i32
    %dma_wait3A_18 = arith.constant 0 : i32
    %dma_wait3A_19 = tpu.memref_slice %arg5[%dma_wait3A, %dma_wait3A_18] : memref<4x64xi32, #tpu.memory_space<vmem>> -> memref<1x64xi32, #tpu.memory_space<vmem>>
    %dma_wait3A_20 = tpu.memref_squeeze %dma_wait3A_19 : memref<1x64xi32, #tpu.memory_space<vmem>> -> memref<64xi32, #tpu.memory_space<vmem>>
    %dma_wait3A_21 = arith.constant 0 : i32
    %dma_wait3A_22 = arith.constant 0 : i32
    %dma_wait3A_23 = tpu.memref_slice %arg2[%dma_wait3A_21, %dma_wait3A_22] : memref<100000x768xf32, #tpu.memory_space<hbm>> -> memref<100000x768xf32, #tpu.memory_space<hbm>>
    tpu.wait_indirect_dma semaphore(%arg8 : memref<!tpu.dma_semaphore, #tpu.memory_space<semaphore_mem>>) src(%dma_wait3A_23 : memref<100000x768xf32, #tpu.memory_space<hbm>>) dst(%arg6 : memref<64x768xf32, #tpu.memory_space<vmem>>)
    %add3A_24 = arith.constant 0 : i32
    %add3A_25 = arith.addi %mul3A_2, %add3A_24 : i32
    %dma_start3A_26 = arith.constant 0 : i32
    %dma_start3A_27 = tpu.memref_slice %arg4[%add3A_25, %dma_start3A_26] : memref<8192x768xf32, #tpu.memory_space<hbm>> -> memref<64x768xf32, #tpu.memory_space<hbm>>
    %dma_start3A_28 = arith.constant 0 : i32
    %dma_start3A_29 = tpu.memref_slice %arg4[%add3A_25, %dma_start3A_28] : memref<8192x768xf32, #tpu.memory_space<hbm>> -> memref<64x768xf32, #tpu.memory_space<hbm>>
    tpu.enqueue_dma source(%arg6 : memref<64x768xf32, #tpu.memory_space<vmem>>) target(%dma_start3A_29 : memref<64x768xf32, #tpu.memory_space<hbm>>) target_semaphore(%arg10 : memref<!tpu.dma_semaphore, #tpu.memory_space<semaphore_mem>>)
    %dma_wait3A_30 = arith.constant 0 : i32
    %dma_wait3A_31 = tpu.memref_slice %arg4[%add3A_25, %dma_wait3A_30] : memref<8192x768xf32, #tpu.memory_space<hbm>> -> memref<64x768xf32, #tpu.memory_space<hbm>>
    %dma_wait3A_32 = arith.constant 0 : i32
    %dma_wait3A_33 = tpu.memref_slice %arg4[%add3A_25, %dma_wait3A_32] : memref<8192x768xf32, #tpu.memory_space<hbm>> -> memref<64x768xf32, #tpu.memory_space<hbm>>
    tpu.wait_dma2 semaphore(%arg10 : memref<!tpu.dma_semaphore, #tpu.memory_space<semaphore_mem>>) src(%arg6 : memref<64x768xf32, #tpu.memory_space<vmem>>) dst(%dma_wait3A_33 : memref<64x768xf32, #tpu.memory_space<hbm>>)
    %dma_start3A_34 = arith.constant 2 : i32
    %dma_start3A_35 = arith.constant 0 : i32
    %dma_start3A_36 = tpu.memref_slice %arg5[%dma_start3A_34, %dma_start3A_35] : memref<4x64xi32, #tpu.memory_space<vmem>> -> memref<1x64xi32, #tpu.memory_space<vmem>>
    %dma_start3A_37 = tpu.memref_squeeze %dma_start3A_36 : memref<1x64xi32, #tpu.memory_space<vmem>> -> memref<64xi32, #tpu.memory_space<vmem>>
    %dma_start3A_38 = arith.constant 0 : i32
    %dma_start3A_39 = arith.constant 0 : i32
    %dma_start3A_40 = tpu.memref_slice %arg2[%dma_start3A_38, %dma_start3A_39] : memref<100000x768xf32, #tpu.memory_space<hbm>> -> memref<100000x768xf32, #tpu.memory_space<hbm>>
    tpu.enqueue_indirect_dma source(%dma_start3A_40 : memref<100000x768xf32, #tpu.memory_space<hbm>>) target(%arg6 : memref<64x768xf32, #tpu.memory_space<vmem>>) offsets(%dma_start3A_37 : memref<64xi32, #tpu.memory_space<vmem>>) semaphore(%arg8 : memref<!tpu.dma_semaphore, #tpu.memory_space<semaphore_mem>>)
    %dma_wait3A_41 = arith.constant 1 : i32
    %dma_wait3A_42 = arith.constant 0 : i32
    %dma_wait3A_43 = tpu.memref_slice %arg5[%dma_wait3A_41, %dma_wait3A_42] : memref<4x64xi32, #tpu.memory_space<vmem>> -> memref<1x64xi32, #tpu.memory_space<vmem>>
    %dma_wait3A_44 = tpu.memref_squeeze %dma_wait3A_43 : memref<1x64xi32, #tpu.memory_space<vmem>> -> memref<64xi32, #tpu.memory_space<vmem>>
    %dma_wait3A_45 = arith.constant 0 : i32
    %dma_wait3A_46 = arith.constant 0 : i32
    %dma_wait3A_47 = tpu.memref_slice %arg2[%dma_wait3A_45, %dma_wait3A_46] : memref<100000x768xf32, #tpu.memory_space<hbm>> -> memref<100000x768xf32, #tpu.memory_space<hbm>>
    tpu.wait_indirect_dma semaphore(%arg9 : memref<!tpu.dma_semaphore, #tpu.memory_space<semaphore_mem>>) src(%dma_wait3A_47 : memref<100000x768xf32, #tpu.memory_space<hbm>>) dst(%arg7 : memref<64x768xf32, #tpu.memory_space<vmem>>)
    %add3A_48 = arith.constant 64 : i32
    %add3A_49 = arith.addi %mul3A_2, %add3A_48 : i32
    %dma_start3A_50 = arith.constant 0 : i32
    %dma_start3A_51 = tpu.memref_slice %arg4[%add3A_49, %dma_start3A_50] : memref<8192x768xf32, #tpu.memory_space<hbm>> -> memref<64x768xf32, #tpu.memory_space<hbm>>
    %dma_start3A_52 = arith.constant 0 : i32
    %dma_start3A_53 = tpu.memref_slice %arg4[%add3A_49, %dma_start3A_52] : memref<8192x768xf32, #tpu.memory_space<hbm>> -> memref<64x768xf32, #tpu.memory_space<hbm>>
    tpu.enqueue_dma source(%arg7 : memref<64x768xf32, #tpu.memory_space<vmem>>) target(%dma_start3A_53 : memref<64x768xf32, #tpu.memory_space<hbm>>) target_semaphore(%arg11 : memref<!tpu.dma_semaphore, #tpu.memory_space<semaphore_mem>>)
    %dma_wait3A_54 = arith.constant 0 : i32
    %dma_wait3A_55 = tpu.memref_slice %arg4[%add3A_49, %dma_wait3A_54] : memref<8192x768xf32, #tpu.memory_space<hbm>> -> memref<64x768xf32, #tpu.memory_space<hbm>>
    %dma_wait3A_56 = arith.constant 0 : i32
    %dma_wait3A_57 = tpu.memref_slice %arg4[%add3A_49, %dma_wait3A_56] : memref<8192x768xf32, #tpu.memory_space<hbm>> -> memref<64x768xf32, #tpu.memory_space<hbm>>
    tpu.wait_dma2 semaphore(%arg11 : memref<!tpu.dma_semaphore, #tpu.memory_space<semaphore_mem>>) src(%arg7 : memref<64x768xf32, #tpu.memory_space<vmem>>) dst(%dma_wait3A_57 : memref<64x768xf32, #tpu.memory_space<hbm>>)
    %dma_start3A_58 = arith.constant 3 : i32
    %dma_start3A_59 = arith.constant 0 : i32
    %dma_start3A_60 = tpu.memref_slice %arg5[%dma_start3A_58, %dma_start3A_59] : memref<4x64xi32, #tpu.memory_space<vmem>> -> memref<1x64xi32, #tpu.memory_space<vmem>>
    %dma_start3A_61 = tpu.memref_squeeze %dma_start3A_60 : memref<1x64xi32, #tpu.memory_space<vmem>> -> memref<64xi32, #tpu.memory_space<vmem>>
    %dma_start3A_62 = arith.constant 0 : i32
    %dma_start3A_63 = arith.constant 0 : i32
    %dma_start3A_64 = tpu.memref_slice %arg2[%dma_start3A_62, %dma_start3A_63] : memref<100000x768xf32, #tpu.memory_space<hbm>> -> memref<100000x768xf32, #tpu.memory_space<hbm>>
    tpu.enqueue_indirect_dma source(%dma_start3A_64 : memref<100000x768xf32, #tpu.memory_space<hbm>>) target(%arg7 : memref<64x768xf32, #tpu.memory_space<vmem>>) offsets(%dma_start3A_61 : memref<64xi32, #tpu.memory_space<vmem>>) semaphore(%arg9 : memref<!tpu.dma_semaphore, #tpu.memory_space<semaphore_mem>>)
    %dma_wait3A_65 = arith.constant 2 : i32
    %dma_wait3A_66 = arith.constant 0 : i32
    %dma_wait3A_67 = tpu.memref_slice %arg5[%dma_wait3A_65, %dma_wait3A_66] : memref<4x64xi32, #tpu.memory_space<vmem>> -> memref<1x64xi32, #tpu.memory_space<vmem>>
    %dma_wait3A_68 = tpu.memref_squeeze %dma_wait3A_67 : memref<1x64xi32, #tpu.memory_space<vmem>> -> memref<64xi32, #tpu.memory_space<vmem>>
    %dma_wait3A_69 = arith.constant 0 : i32
    %dma_wait3A_70 = arith.constant 0 : i32
    %dma_wait3A_71 = tpu.memref_slice %arg2[%dma_wait3A_69, %dma_wait3A_70] : memref<100000x768xf32, #tpu.memory_space<hbm>> -> memref<100000x768xf32, #tpu.memory_space<hbm>>
    tpu.wait_indirect_dma semaphore(%arg8 : memref<!tpu.dma_semaphore, #tpu.memory_space<semaphore_mem>>) src(%dma_wait3A_71 : memref<100000x768xf32, #tpu.memory_space<hbm>>) dst(%arg6 : memref<64x768xf32, #tpu.memory_space<vmem>>)
    %add3A_72 = arith.constant 128 : i32
    %add3A_73 = arith.addi %mul3A_2, %add3A_72 : i32
    %dma_start3A_74 = arith.constant 0 : i32
    %dma_start3A_75 = tpu.memref_slice %arg4[%add3A_73, %dma_start3A_74] : memref<8192x768xf32, #tpu.memory_space<hbm>> -> memref<64x768xf32, #tpu.memory_space<hbm>>
    %dma_start3A_76 = arith.constant 0 : i32
    %dma_start3A_77 = tpu.memref_slice %arg4[%add3A_73, %dma_start3A_76] : memref<8192x768xf32, #tpu.memory_space<hbm>> -> memref<64x768xf32, #tpu.memory_space<hbm>>
    tpu.enqueue_dma source(%arg6 : memref<64x768xf32, #tpu.memory_space<vmem>>) target(%dma_start3A_77 : memref<64x768xf32, #tpu.memory_space<hbm>>) target_semaphore(%arg10 : memref<!tpu.dma_semaphore, #tpu.memory_space<semaphore_mem>>)
    %dma_wait3A_78 = arith.constant 3 : i32
    %dma_wait3A_79 = arith.constant 0 : i32
    %dma_wait3A_80 = tpu.memref_slice %arg5[%dma_wait3A_78, %dma_wait3A_79] : memref<4x64xi32, #tpu.memory_space<vmem>> -> memref<1x64xi32, #tpu.memory_space<vmem>>
    %dma_wait3A_81 = tpu.memref_squeeze %dma_wait3A_80 : memref<1x64xi32, #tpu.memory_space<vmem>> -> memref<64xi32, #tpu.memory_space<vmem>>
    %dma_wait3A_82 = arith.constant 0 : i32
    %dma_wait3A_83 = arith.constant 0 : i32
    %dma_wait3A_84 = tpu.memref_slice %arg2[%dma_wait3A_82, %dma_wait3A_83] : memref<100000x768xf32, #tpu.memory_space<hbm>> -> memref<100000x768xf32, #tpu.memory_space<hbm>>
    tpu.wait_indirect_dma semaphore(%arg9 : memref<!tpu.dma_semaphore, #tpu.memory_space<semaphore_mem>>) src(%dma_wait3A_84 : memref<100000x768xf32, #tpu.memory_space<hbm>>) dst(%arg7 : memref<64x768xf32, #tpu.memory_space<vmem>>)
    %add3A_85 = arith.constant 192 : i32
    %add3A_86 = arith.addi %mul3A_2, %add3A_85 : i32
    %dma_start3A_87 = arith.constant 0 : i32
    %dma_start3A_88 = tpu.memref_slice %arg4[%add3A_86, %dma_start3A_87] : memref<8192x768xf32, #tpu.memory_space<hbm>> -> memref<64x768xf32, #tpu.memory_space<hbm>>
    %dma_start3A_89 = arith.constant 0 : i32
    %dma_start3A_90 = tpu.memref_slice %arg4[%add3A_86, %dma_start3A_89] : memref<8192x768xf32, #tpu.memory_space<hbm>> -> memref<64x768xf32, #tpu.memory_space<hbm>>
    tpu.enqueue_dma source(%arg7 : memref<64x768xf32, #tpu.memory_space<vmem>>) target(%dma_start3A_90 : memref<64x768xf32, #tpu.memory_space<hbm>>) target_semaphore(%arg11 : memref<!tpu.dma_semaphore, #tpu.memory_space<semaphore_mem>>)
    %dma_wait3A_91 = arith.constant 0 : i32
    %dma_wait3A_92 = tpu.memref_slice %arg4[%add3A_73, %dma_wait3A_91] : memref<8192x768xf32, #tpu.memory_space<hbm>> -> memref<64x768xf32, #tpu.memory_space<hbm>>
    %dma_wait3A_93 = arith.constant 0 : i32
    %dma_wait3A_94 = tpu.memref_slice %arg4[%add3A_73, %dma_wait3A_93] : memref<8192x768xf32, #tpu.memory_space<hbm>> -> memref<64x768xf32, #tpu.memory_space<hbm>>
    tpu.wait_dma2 semaphore(%arg10 : memref<!tpu.dma_semaphore, #tpu.memory_space<semaphore_mem>>) src(%arg6 : memref<64x768xf32, #tpu.memory_space<vmem>>) dst(%dma_wait3A_94 : memref<64x768xf32, #tpu.memory_space<hbm>>)
    %dma_wait3A_95 = arith.constant 0 : i32
    %dma_wait3A_96 = tpu.memref_slice %arg4[%add3A_86, %dma_wait3A_95] : memref<8192x768xf32, #tpu.memory_space<hbm>> -> memref<64x768xf32, #tpu.memory_space<hbm>>
    %dma_wait3A_97 = arith.constant 0 : i32
    %dma_wait3A_98 = tpu.memref_slice %arg4[%add3A_86, %dma_wait3A_97] : memref<8192x768xf32, #tpu.memory_space<hbm>> -> memref<64x768xf32, #tpu.memory_space<hbm>>
    tpu.wait_dma2 semaphore(%arg11 : memref<!tpu.dma_semaphore, #tpu.memory_space<semaphore_mem>>) src(%arg7 : memref<64x768xf32, #tpu.memory_space<vmem>>) dst(%dma_wait3A_98 : memref<64x768xf32, #tpu.memory_space<hbm>>)
    return
  }
}

module attributes {stable_mosaic.version = 14 : i64} {
  func.func @body(%arg0: i32, %arg1: i32, %arg2: memref<1x1x256xi32, #tpu.memory_space<vmem>>, %arg3: memref<256x768xf32, #tpu.memory_space<vmem>>, %arg4: memref<256x768xf32, #tpu.memory_space<vmem>>, %arg5: memref<2x768xf32, #tpu.memory_space<vmem>>, %arg6: memref<1x768xf32, #tpu.memory_space<vmem>>, %arg7: memref<1x768xf32, #tpu.memory_space<vmem>>, %arg8: memref<256x768xf32, #tpu.memory_space<vmem>>) attributes {dimension_semantics = [#tpu.dimension_semantics<arbitrary>, #tpu.dimension_semantics<arbitrary>], iteration_bounds = array<i64: 8, 4>, scalar_prefetch = 0 : i64, scratch_operands = 0 : i64, tpu.core_type = #tpu.core_type<tc>, window_params = [{transform_indices = @transform_0, window_bounds = array<i64: 1, 1, 256>}, {transform_indices = @transform_1, window_bounds = array<i64: 256, 768>}, {transform_indices = @transform_2, window_bounds = array<i64: 256, 768>}, {pipeline_mode = #tpu.pipeline_mode<synchronous>, transform_indices = @transform_3, window_bounds = array<i64: 2, 768>}, {pipeline_mode = #tpu.pipeline_mode<synchronous>, transform_indices = @transform_4, window_bounds = array<i64: 1, 768>}, {pipeline_mode = #tpu.pipeline_mode<synchronous>, transform_indices = @transform_5, window_bounds = array<i64: 1, 768>}, {transform_indices = @transform_6, window_bounds = array<i64: 256, 768>}]} {
    %get3A = arith.constant 0 : index
    %get3A_0 = arith.constant 0 : index
    %get3A_1 = arith.constant 0 : index
    %get3A_2 = vector.load %arg2[%get3A, %get3A_0, %get3A_1] : memref<1x1x256xi32, #tpu.memory_space<vmem>>, vector<1x1x256xi32>
    %get3A_3 = vector.shape_cast %get3A_2 : vector<1x1x256xi32> to vector<256xi32>
    %broadcast_in_dim3A = vector.shape_cast %get3A_3 : vector<256xi32> to vector<256x1xi32>
    %eq3A = arith.constant 0 : i32
    %eq3A_4 = vector.broadcast %eq3A : i32 to vector<256x1xi32>
    %eq3A_5 = arith.cmpi eq, %broadcast_in_dim3A, %eq3A_4 : vector<256x1xi32>
    %get3A_6 = arith.constant 0 : index
    %get3A_7 = arith.constant 0 : index
    %get3A_8 = vector.load %arg5[%get3A_6, %get3A_7] : memref<2x768xf32, #tpu.memory_space<vmem>>, vector<1x768xf32>
    %get3A_9 = vector.shape_cast %get3A_8 : vector<1x768xf32> to vector<768xf32>
    %broadcast_in_dim3A_10 = vector.shape_cast %get3A_9 : vector<768xf32> to vector<1x768xf32>
    %get3A_11 = arith.constant 1 : index
    %get3A_12 = arith.constant 0 : index
    %get3A_13 = vector.load %arg5[%get3A_11, %get3A_12] : memref<2x768xf32, #tpu.memory_space<vmem>>, vector<1x768xf32>
    %get3A_14 = vector.shape_cast %get3A_13 : vector<1x768xf32> to vector<768xf32>
    %broadcast_in_dim3A_15 = vector.shape_cast %get3A_14 : vector<768xf32> to vector<1x768xf32>
    %broadcast_in_dim3A_16 = vector.shape_cast %eq3A_5 : vector<256x1xi1> to vector<256x1xi1>
    %broadcast_in_dim3A_17 = vector.broadcast %broadcast_in_dim3A_16 : vector<256x1xi1> to vector<256x768xi1>
    %broadcast_in_dim3A_18 = vector.shape_cast %broadcast_in_dim3A_10 : vector<1x768xf32> to vector<1x768xf32>
    %broadcast_in_dim3A_19 = vector.broadcast %broadcast_in_dim3A_18 : vector<1x768xf32> to vector<256x768xf32>
    %broadcast_in_dim3A_20 = vector.shape_cast %broadcast_in_dim3A_15 : vector<1x768xf32> to vector<1x768xf32>
    %broadcast_in_dim3A_21 = vector.broadcast %broadcast_in_dim3A_20 : vector<1x768xf32> to vector<256x768xf32>
    %select_n3A = arith.select %broadcast_in_dim3A_17, %broadcast_in_dim3A_19, %broadcast_in_dim3A_21 : vector<256x768xi1>, vector<256x768xf32>
    %get3A_22 = arith.constant 0 : index
    %get3A_23 = arith.constant 0 : index
    %get3A_24 = vector.load %arg3[%get3A_22, %get3A_23] : memref<256x768xf32, #tpu.memory_space<vmem>>, vector<256x768xf32>
    %get3A_25 = arith.constant 0 : index
    %get3A_26 = arith.constant 0 : index
    %get3A_27 = vector.load %arg4[%get3A_25, %get3A_26] : memref<256x768xf32, #tpu.memory_space<vmem>>, vector<256x768xf32>
    %add3A = arith.addf %get3A_24, %get3A_27 : vector<256x768xf32>
    %add3A_28 = arith.addf %add3A, %select_n3A : vector<256x768xf32>
    %reduce_sum3A = arith.constant dense<0.000000e+00> : vector<256xf32>
    %reduce_sum3A_29 = vector.multi_reduction <add>, %add3A_28, %reduce_sum3A [1] : vector<256x768xf32> to vector<256xf32>
    %broadcast_in_dim3A_30 = vector.shape_cast %reduce_sum3A_29 : vector<256xf32> to vector<256x1xf32>
    %div3A = arith.constant 7.680000e+02 : f32
    %div3A_31 = vector.broadcast %div3A : f32 to vector<256x1xf32>
    %div3A_32 = arith.divf %broadcast_in_dim3A_30, %div3A_31 : vector<256x1xf32>
    %sub3A = vector.broadcast %div3A_32 : vector<256x1xf32> to vector<256x768xf32>
    %sub3A_33 = arith.subf %add3A_28, %sub3A : vector<256x768xf32>
    %mul3A = arith.mulf %sub3A_33, %sub3A_33 : vector<256x768xf32>
    %reduce_sum3A_34 = arith.constant dense<0.000000e+00> : vector<256xf32>
    %reduce_sum3A_35 = vector.multi_reduction <add>, %mul3A, %reduce_sum3A_34 [1] : vector<256x768xf32> to vector<256xf32>
    %broadcast_in_dim3A_36 = vector.shape_cast %reduce_sum3A_35 : vector<256xf32> to vector<256x1xf32>
    %div3A_37 = arith.constant 7.680000e+02 : f32
    %div3A_38 = vector.broadcast %div3A_37 : f32 to vector<256x1xf32>
    %div3A_39 = arith.divf %broadcast_in_dim3A_36, %div3A_38 : vector<256x1xf32>
    %add3A_40 = arith.constant 9.99999996E-13 : f32
    %add3A_41 = vector.broadcast %add3A_40 : f32 to vector<256x1xf32>
    %add3A_42 = arith.addf %div3A_39, %add3A_41 : vector<256x1xf32>
    %rsqrt3A = math.rsqrt %add3A_42 : vector<256x1xf32>
    %mul3A_43 = vector.broadcast %rsqrt3A : vector<256x1xf32> to vector<256x768xf32>
    %mul3A_44 = arith.mulf %sub3A_33, %mul3A_43 : vector<256x768xf32>
    %get3A_45 = arith.constant 0 : index
    %get3A_46 = arith.constant 0 : index
    %get3A_47 = vector.load %arg6[%get3A_45, %get3A_46] : memref<1x768xf32, #tpu.memory_space<vmem>>, vector<1x768xf32>
    %get3A_48 = vector.shape_cast %get3A_47 : vector<1x768xf32> to vector<768xf32>
    %broadcast_in_dim3A_49 = vector.shape_cast %get3A_48 : vector<768xf32> to vector<1x768xf32>
    %mul3A_50 = vector.broadcast %broadcast_in_dim3A_49 : vector<1x768xf32> to vector<256x768xf32>
    %mul3A_51 = arith.mulf %mul3A_44, %mul3A_50 : vector<256x768xf32>
    %get3A_52 = arith.constant 0 : index
    %get3A_53 = arith.constant 0 : index
    %get3A_54 = vector.load %arg7[%get3A_52, %get3A_53] : memref<1x768xf32, #tpu.memory_space<vmem>>, vector<1x768xf32>
    %get3A_55 = vector.shape_cast %get3A_54 : vector<1x768xf32> to vector<768xf32>
    %broadcast_in_dim3A_56 = vector.shape_cast %get3A_55 : vector<768xf32> to vector<1x768xf32>
    %add3A_57 = vector.broadcast %broadcast_in_dim3A_56 : vector<1x768xf32> to vector<256x768xf32>
    %add3A_58 = arith.addf %mul3A_51, %add3A_57 : vector<256x768xf32>
    %swap3A = arith.constant 0 : index
    %swap3A_59 = arith.constant 0 : index
    %swap3A_60 = vector.load %arg8[%swap3A, %swap3A_59] : memref<256x768xf32, #tpu.memory_space<vmem>>, vector<256x768xf32>
    tpu.vector_store %arg8[%swap3A, %swap3A_59], %add3A_58 {strides = array<i32>} : memref<256x768xf32, #tpu.memory_space<vmem>>, vector<256x768xf32>,
    return
  }
  func.func @transform_0(%arg0: i32, %arg1: i32) -> (i32, i32, i32) {
    %mul3A = arith.constant 8 : i32
    %mul3A_0 = arith.muli %arg1, %mul3A : i32
    %add3A = arith.addi %mul3A_0, %arg0 : i32
    %c0_i32 = arith.constant 0 : i32
    %c0_i32_1 = arith.constant 0 : i32
    %c0_i32_2 = arith.constant 0 : i32
    return %add3A, %c0_i32, %c0_i32_1 : i32, i32, i32
  }
  func.func @transform_1(%arg0: i32, %arg1: i32) -> (i32, i32) {
    %mul3A = arith.constant 8 : i32
    %mul3A_0 = arith.muli %arg1, %mul3A : i32
    %add3A = arith.addi %mul3A_0, %arg0 : i32
    %c0_i32 = arith.constant 0 : i32
    %c0_i32_1 = arith.constant 0 : i32
    return %add3A, %c0_i32 : i32, i32
  }
  func.func @transform_2(%arg0: i32, %arg1: i32) -> (i32, i32) {
    %c0_i32 = arith.constant 0 : i32
    %c0_i32_0 = arith.constant 0 : i32
    return %arg0, %c0_i32 : i32, i32
  }
  func.func @transform_3(%arg0: i32, %arg1: i32) -> (i32, i32) {
    %c0_i32 = arith.constant 0 : i32
    %c0_i32_0 = arith.constant 0 : i32
    %c0_i32_1 = arith.constant 0 : i32
    return %c0_i32, %c0_i32_0 : i32, i32
  }
  func.func @transform_4(%arg0: i32, %arg1: i32) -> (i32, i32) {
    %c0_i32 = arith.constant 0 : i32
    %c0_i32_0 = arith.constant 0 : i32
    %c0_i32_1 = arith.constant 0 : i32
    return %c0_i32, %c0_i32_0 : i32, i32
  }
  func.func @transform_5(%arg0: i32, %arg1: i32) -> (i32, i32) {
    %c0_i32 = arith.constant 0 : i32
    %c0_i32_0 = arith.constant 0 : i32
    %c0_i32_1 = arith.constant 0 : i32
    return %c0_i32, %c0_i32_0 : i32, i32
  }
  func.func @transform_6(%arg0: i32, %arg1: i32) -> (i32, i32) {
    %mul3A = arith.constant 8 : i32
    %mul3A_0 = arith.muli %arg1, %mul3A : i32
    %add3A = arith.addi %mul3A_0, %arg0 : i32
    %c0_i32 = arith.constant 0 : i32
    %c0_i32_1 = arith.constant 0 : i32
    return %add3A, %c0_i32 : i32, i32
  }
}

</mosaic_0001>

<sc_bundles>
// kernel: kernel.4.cloned.1.call-start
scs
__scs_entry_jumppad:
0x0: {  	(pc) =	sbr.rel $0x88, $3  }
0x1: {  	(tag) =	ssettag $0x0;
	lr =	simm.s32 $0x1  }
0x2: {  	[smem:$0x3F9A] =	sst lr;
	_ =	strace $0xD0000000  }
0x3: {  	_ = 	snop  }
0x4: {  	_ = 	snop  }
0x5: {  	_ = 	snop  }
0x6: {  	_ = 	snop  }
0x7: {  	_ = 	snop  }
__scs_overlays_trampoline_lowered:
0x8: {  	[smem:$0x3FA9] =	sst s0  }
0x9: {  	[smem:$0x3FAA] =	sst s1  }
0xa: {  	[smem:$0x3FAB] =	sst s2  }
0xb: {  	[smem:$0x3FAC] =	sst s3  }
0xc: {  	[smem:$0x3FAD] =	sst s4  }
0xd: {  	[smem:$0x3FAE] =	sst s5  }
0xe: {  	[smem:$0x3FAF] =	sst s6  }
0xf: {  	[smem:$0x3FB0] =	sst s7  }
0x10: {  	[smem:$0x3FB1] =	sst s8  }
0x11: {  	[smem:$0x3FB2] =	sst s9;
	s0 =	simm.s32 @!p0 $0x0  }
0x12: {  	s1 =	sld [smem:$0x3F98];
	s0 =	simm.s32 @p0 $0x1  }
0x13: {  	[smem:$0x3FB3] =	sst s0;
	s0 =	simm.s32 @!p1 $0x0  }
0x14: {  	s2 =	sld [smem:$0x3F97];
	s0 =	simm.s32 @p1 $0x1  }
0x15: {  	[smem:$0x3FB4] =	sst s0;
	s0 =	simm.s32 @!p2 $0x0  }
0x16: {  	s3 =	sld [smem:$0x3FDB];
	s0 =	simm.s32 @p2 $0x1  }
0x17: {  	s4 =	simm.s32 $0x1BF5;
	[smem:$0x3FB6] =	sst s0  }
0x18: {  	s0 =	sld [smem:$0x3F99];
	_ =	swait.ge [sflag:s4], $0x0  }
0x19: {  	s7 =	sld [smem:$0x3F9A]  }
0x1a: {  	s8 =	sadd.s32 $0xFFFFE003, lr  }
0x1b: {  	s9 =	sadd.s32 $0xFFFFFEF7, lr;
	s5 =	simm.s32 $0xFFFFFFFF;
	p2 =	slt.u32 s8, $0xFFFFF086  }
0x1c: {  	p1 =	slt.u32 s9, $0xF7A;
	s5 =	simm.s32 @!p2 $0x0  }
0x1d: {  	s5 =	simm.s32 @p1 $0x1;
	p0 =	seq.s32 s7, s2  }
0x1e: {  	s7 =	smul.u32 @!p0 $0xF7A, s2;
	p2 =	seq.s32 @!p0 s5, $0x0  }
0x1f: {  	s9 =	smul.u32 $0xF7A, s1;
	s8 =	simm.s32 @!p0 $0x1BF5;
	p2 =	por !p2, p0  }
0x20: {  	[sflag:s8] =	ssyncset.s32 @!p0 $0xFFFFF086;
	s6 =	sadd.s32 @!p0 s3, s7;
	s7 =	simm.s32 @!p0 $0x108  }
0x21: {  	s3 =	sadd.s32 s3, s9;
	s6 =	sadd.s32 @!p0 $0x88, s6;
	s7 =	simm.s32 @p2 $0x1082  }
0x22: {  	[simem:s7], [sflag:s8] =	dma.local @!p0 [hbm:s6], $0xF7A  }
0x23: {  	s9 =	sor.u32 $0xD0000000, s2;
	s6 =	simm.s32 $0x108;
	_ =	swait.ge @!p0 [sflag:s8], $0x0  }
0x24: {  	s3 =	sadd.s32 $0x88, s3;
	s6 =	simm.s32 @!p1 $0x1082;
	[sflag:s4] =	ssyncset.s32 $0xFFFFF086  }
0x25: {  	[simem:s6], [sflag:s4] =	dma.local [hbm:s3], $0xF7A  }
0x26: {  	[smem:$0x3F9A] =	sst s1;
	(tag) =	ssettag s2;
	_ =	strace s9  }
0x27: {  	s1 =	sld [smem:$0x3FAA]  }
0x28: {  	s2 =	sld [smem:$0x3FAB]  }
0x29: {  	s4 =	sld [smem:$0x3FAD]  }
0x2a: {  	p0 =	seq.s32 s5, $0x0;
	s5 =	sld [smem:$0x3FAE]  }
0x2b: {  	s6 =	sld [smem:$0x3FAF]  }
0x2c: {  	s7 =	sld [smem:$0x3FB0]  }
0x2d: {  	s3 =	simm.s32 $0x108;
	s8 =	sld [smem:$0x3FB1]  }
0x2e: {  	s3 =	simm.s32 @!p0 $0x1082;
	s9 =	sld [smem:$0x3FB2]  }
0x2f: {  	lr =	sadd.s32 s0, s3;
	s0 =	sld [smem:$0x3FA9]  }
0x30: {  	s3 =	sld [smem:$0x3FAC]  }
0x31: {  	[smem:$0x3FB5] =	sst s10  }
0x32: {  	s10 =	sld [smem:$0x3FB3];
	_ =	sdelay $0x3  }
0x33: {  	p0 =	seq.s32 s10, $0x1;
	s10 =	sld [smem:$0x3FB5];
	_ =	sdelay $0x3  }
0x34: {  	[smem:$0x3FB5] =	sst s10  }
0x35: {  	s10 =	sld [smem:$0x3FB4];
	_ =	sdelay $0x3  }
0x36: {  	p1 =	seq.s32 s10, $0x1;
	s10 =	sld [smem:$0x3FB5];
	_ =	sdelay $0x3  }
0x37: {  	[smem:$0x3FB5] =	sst s10  }
0x38: {  	s10 =	sld [smem:$0x3FB6]  }
0x39: {  	_ = 	snop;
	(pc) =	sbr.ind lr, $3  }
0x3a: {  	_ = 	snop  }
0x3b: {  	_ = 	snop  }
0x3c: {  	p2 =	seq.s32 s10, $0x1;
	s10 =	sld [smem:$0x3FB5]  }
0x3d: {  	_ =	shalt  }
0x3e: {  	_ =	shalt  }
0x3f: {  	_ =	shalt  }
0x40: {  	_ =	shalt  }
0x41: {  	_ =	shalt  }
0x42: {  	_ =	shalt  }
0x43: {  	_ =	shalt  }
0x44: {  	_ =	shalt  }
0x45: {  	_ =	shalt  }
0x46: {  	_ =	shalt  }
0x47: {  	_ =	shalt  }
0x48: {  	_ =	shalt  }
0x49: {  	_ =	shalt  }
0x4a: {  	_ =	shalt  }
0x4b: {  	_ =	shalt  }
0x4c: {  	_ =	shalt  }
0x4d: {  	_ =	shalt  }
0x4e: {  	_ =	shalt  }
0x4f: {  	_ =	shalt  }
0x50: {  	_ =	shalt  }
0x51: {  	_ =	shalt  }
0x52: {  	_ =	shalt  }
0x53: {  	_ =	shalt  }
0x54: {  	_ =	shalt  }
0x55: {  	_ =	shalt  }
0x56: {  	_ =	shalt  }
0x57: {  	_ =	shalt  }
0x58: {  	_ =	shalt  }
0x59: {  	_ =	shalt  }
0x5a: {  	_ =	shalt  }
0x5b: {  	_ =	shalt  }
0x5c: {  	_ =	shalt  }
0x5d: {  	_ =	shalt  }
0x5e: {  	_ =	shalt  }
0x5f: {  	_ =	shalt  }
0x60: {  	_ =	shalt  }
0x61: {  	_ =	shalt  }
0x62: {  	_ =	shalt  }
0x63: {  	_ =	shalt  }
0x64: {  	_ =	shalt  }
0x65: {  	_ =	shalt  }
0x66: {  	_ =	shalt  }
0x67: {  	_ =	shalt  }
0x68: {  	_ =	shalt  }
0x69: {  	_ =	shalt  }
0x6a: {  	_ =	shalt  }
0x6b: {  	_ =	shalt  }
0x6c: {  	_ =	shalt  }
0x6d: {  	_ =	shalt  }
0x6e: {  	_ =	shalt  }
0x6f: {  	_ =	shalt  }
0x70: {  	_ =	shalt  }
0x71: {  	_ =	shalt  }
0x72: {  	_ =	shalt  }
0x73: {  	_ =	shalt  }
0x74: {  	_ =	shalt  }
0x75: {  	_ =	shalt  }
0x76: {  	_ =	shalt  }
0x77: {  	_ =	shalt  }
0x78: {  	_ =	shalt  }
0x79: {  	_ =	shalt  }
0x7a: {  	_ =	shalt  }
0x7b: {  	_ =	shalt  }
0x7c: {  	_ =	shalt  }
0x7d: {  	_ =	shalt  }
0x7e: {  	_ =	shalt  }
0x7f: {  	_ =	shalt  }
0x80: {  	_ =	shalt  }
0x81: {  	_ =	shalt  }
0x82: {  	_ =	shalt  }
0x83: {  	_ =	shalt  }
0x84: {  	_ =	shalt  }
0x85: {  	_ =	shalt  }
0x86: {  	_ =	shalt  }
0x87: {  	_ =	shalt  }
.Lfunc_end0:
.L_simem_size_0:
called_computation_lowered:
.L_overlay_start_0:
0x88: {  	s2 =	sld [smem:$0x3FD9]  }
0x89: {  	s3 =	sld [smem:$0x3FFE];
	_ =	sdelay $0x1  }
0x8a: {  	s1 =	srdreg.scid  }
0x8b: {  	s0 =	sand.u32 $0x1, s1  }
0x8c: {  	s17 =	sshll.u32 s0, $0xA;
	s2 =	sadd.s32 s3, s2  }
0x8d: {  	s2 =	sadd.s32 s2, s17  }
0x8e: {  	[smem:$0x3FC1] =	sst s2  }
0x8f: {  	_ = 	snop  }
0x90: {  	s2 =	sld [smem:$0x3FC7]  }
0x91: {  	s18 =	sld [smem:$0x3FD0];
	(tm) =	ssettm $0x1  }
0x92: {  	s4 =	sld [smem:$0x3FFB];
	_ =	sdelay $0x3  }
0x93: {  	_ =	strace s4  }
0x94: {  	s4 =	sld [smem:$0x3FFC];
	_ =	sdelay $0x3  }
0x95: {  	_ =	strace s4  }
0x96: {  	s4 =	sld [smem:$0x3FFD];
	_ =	sdelay $0x3  }
0x97: {  	_ =	strace s4  }
0x98: {  	_ =	strace $0x8FFFFFFF  }
0x99: {  	s19 =	sld [smem:$0x3FDB];
	_ =	sdelay $0x1  }
0x9a: {  	s5 =	simm.s32 $_scs_section_size  }
0x9b: {  	s6 =	simm.s32 $_size__tile_overlayer_lowered;
	s7 =	simm.s32 $_tile_overlayer_lowered  }
0x9c: {  	s22 =	simm.s32 $0x1BFF;
	s21 =	sshll.u32 s7, $0x1;
	s4 =	sadd.s32 s5, s19  }
0x9d: {  	s8 =	simm.s32 $0x0;
	s20 =	sshll.u32 s6, $0x1;
	s6 =	sadd.s32 s21, s4  }
0x9e: {  	[timem:s8], [sflag:s22] =	dma.local [hbm:s6], s20  }
0x9f: {  	_ =	swait.ge [sflag:s22], s20  }
0xa0: {  	s5 =	ssub.s32 $0x0, s20;
	[sflag:s22] =	ssyncset.done $0x0  }
0xa1: {  	[sflag:s22] =	ssyncadd.s32 s5;
	_ =	sdelay $0x1  }
0xa2: {  	s23 =	simm.s32 $0x1B8B  }
0xa3: {  	_ =	swait.ge [sflag:s23], $0x1  }
0xa4: {  	[sflag:s23] =	ssyncset.done $0x0  }
0xa5: {  	s25 =	simm.s32 $0x1B8E;
	s24 =	sld [smem:$0x3FFE];
	[sflag:s23] =	ssyncadd.s32 $0xFFFFFFFF  }
0xa6: {  	s26 =	simm.s32 $execute0_lowered;
	[smem:$0x3FD2] =	sst s25  }
0xa7: {  	s6 =	sshll.u32 s26, $0x1;
	_ =	strace $0x80000046;
	[dreg:$0x1] =	wrdreg $0xFFFFFFFF  }
0xa8: {  	s28 =	simm.s32 $_size_execute0_lowered;
	s4 =	sadd.s32 s4, s6;
	[dreg:$0x0] =	wrdreg $0x0  }
0xa9: {  	s6 =	sshll.u32 s28, $0x1;
	[dreg:$0x2] =	wrdreg s4  }
0xaa: {  	[dreg:$0x3] =	wrdreg s6  }
0xab: {  	[dreg:$0x4] =	wrdreg $0xC0  }
0xac: {  	_ =	task [dreg:s8], $0x5FFFF  }
0xad: {  	[dreg:$0x1] =	wrdreg $0xFFFFFFFF  }
0xae: {  	[dreg:$0x0] =	wrdreg $0x60  }
0xaf: {  	[dreg:$0x2] =	wrdreg s2  }
0xb0: {  	[dreg:$0x3] =	wrdreg s18  }
0xb1: {  	[dreg:$0x4] =	wrdreg s24  }
0xb2: {  	[dreg:$0x5] =	wrdreg $0x9  }
0xb3: {  	_ =	task.clear_ibuf [dreg:s8], $0x6FFFF;
	_ =	strace $0x90000046  }
0xb4: {  	s29 =	simm.s32 $0x9;
	_ =	strace $0x80000048  }
0xb5: {  	_ =	swait.ge [sflag:s29], $0x1  }
0xb6: {  	[sflag:s29] =	ssyncadd.s32 $0xFFFFFFFF  }
0xb7: {  	_ =	strace $0x90000048  }
0xb8: {  	_ =	sfence  }
0xb9: {  	s30 =	sld [smem:$0x0];
	_ =	sdelay $0x2  }
0xba: {  	s31 =	sshll.u32 s1, $0xD;
	s1 =	sshrl.u32 s1, $0x2  }
0xbb: {  	s3 =	sand.u32 $0x4000, s31;
	s1 =	sadd.s32 s1, s30  }
0xbc: {  	s0 =	sor.u32 s3, s0;
	s1 =	sshll.u32 s1, $0x11  }
0xbd: {  	s0 =	sor.u32 s1, s0  }
0xbe: {  	s0 =	sadd.s32 $0x8F2B, s0  }
0xbf: {  	[sflag:s0] =	ssyncadd.remote.s32 $0x1  }
0xc0: {  	_ =	sfence.sel $0xFFFF  }
0xc1: {  	[dreg:$0x0] =	wrdreg $0xFFFFFFFF;
	(pc) =	sbr.abs _section_cstart, $3  }
0xc2: {  	[dreg:$0x1] =	wrdreg $0xFFFFFFFF  }
0xc3: {  	_ =	task.clear_ibuf [dreg:s8], $0x2FFFF;
	_ =	strace $0x9FFFFFFF  }
0xc4: {  	(tm) =	ssettm $0x7FFFFFFF  }
0xc5: {  	_ =	shalt  }
tec
execute0_lowered:
.L_overlay_start_1:
0x0: {  	(tag) =	ssettag $0x1  }
0x1: {  	s1 =	rddreg [dreg:$0x0]  }
0x2: {  	s0 =	rddreg [dreg:$0x1]  }
0x3: {  	s2 =	rddreg [dreg:$0x2]  }
0x4: {  	s4 =	srdreg.scid;
	s8 =	stileid.u32  }
0x5: {  	s3 =	simm.s32 $0x0;
	s15 =	simm.s32 $0xA00;
	s16 =	simm.s32 $0x1200  }
0x6: {  	s17 =	simm.s32 $0x1A00;
	s18 =	simm.s32 $0x2200;
	s19 =	simm.s32 $0x2A00  }
0x7: {  	s20 =	simm.s32 $0x3200;
	s21 =	simm.s32 $0x3A00;
	s22 =	simm.s32 $0x4200  }
0x8: {  	s28 =	simm.s32 $0x6A00;
	s29 =	simm.s32 $0x7200;
	s30 =	simm.s32 $0x7A00  }
0x9: {  	s31 =	simm.s32 $0x8200;
	s9 =	simm.s32 $0xA200;
	s10 =	simm.s32 $0xB200  }
0xa: {  	s11 =	simm.s32 $0xBA00;
	s12 =	simm.s32 $0xC200;
	s13 =	simm.s32 $0x1  }
0xb: {  	s4 =	sand.u32 $0x1, s4;
	s5 =	sshll.u32 s8, $0x1;
	[smem:$0x7FF] =	sst s3  }
0xc: {  	s2 =	sadd.s32 $0xE00, s2;
	s8 =	sshll.u32 s8, $0x7;
	s5 =	sor.u32 s4, s5  }
0xd: {  	_ =	strace $0x80000047;
	s7 =	sshll.u32 s4, $0x6;
	s4 =	ssub.s32 $0x2, s4  }
0xe: {  	s6 =	smul.u32 $0x6000, s5;
	s0 =	sadd.s32 s0, s7;
	s24 =	sshrl.u32 s4, $0x1  }
0xf: {  	s5 =	smul.u32 $0x30000, s5;
	s0 =	sadd.s32 s8, s0;
	s4 =	ssub.s32 s4, s24  }
0x10: {  	s24 =	simm.s32 $0x5200;
	s6 =	sadd.s32 s2, s6;
	[dreg:$0x4] =	wrdreg s0  }
0x11: {  	s5 =	sshrl.u32 s5, $0x3;
	s8 =	smax.u32 s4, $0x1;
	[dreg:$0x8] =	wrdreg s6  }
0x12: {  	s23 =	sadd.s32 $0x1800, s6;
	s2 =	sadd.s32 s2, s5;
	s5 =	sadd.s32 $0x100, s1  }
0x13: {  	v2 =	vlaneseq.u32;
	s6 =	sadd.s32 $0x200, s1;
	[dreg:$0x5] =	wrdreg s23;
	s25 =	sadd.s32 $0x3000, s2  }
0x14: {  	vm0 =	vmmov $0xffff;
	v1 =	vshrl.u32 v2, $0x3;
	s26 =	sadd.s32 $0x4800, s2;
	s23 =	simm.s32 $0x4A00;
	[dreg:$0x6] =	wrdreg s25  }
0x15: {  	v0 =	vand.u32 $0x7, v2;
	v2 =	vor.u32 $0x8, v2;
	v1 =	vmul.u32 $0x8, v1;
	[dreg:$0x7] =	wrdreg s26;
	s25 =	simm.s32 $0x5A00;
	s26 =	simm.s32 $0x6200  }
.LBB2_1:
0x16: {  	s14 =	rddreg [dreg:$0x4];
	s0 =	simm.s32 $0x5  }
0x17: {  	[tilespmem:s3], [sflag:$0x5] =	stream.linear.gather [hbm4b:s14+s3], $0x200, $0x38;
	[tilespmem:$0x18200] =	vst v63  }
0x18: {  	_ =	swait.ge [sflag:s0], $0x200  }
0x19: {  	[sflag:s0] =	ssyncset.done $0x0  }
0x1a: {  	[sflag:s0] =	ssyncadd.s32 $0xFFFFFE00  }
0x1b: {  	v3 =	vld [tilespmem:$0x0];
	_ =	sdelay $0x4  }
0x1c: {  	v4 =	vshrl.u32 v3, $0x3  }
0x1d: {  	v4 =	vmul.u32 $0x30, v4  }
0x1e: {  	v3 =	vand.u32 $0x7, v3  }
0x1f: {  	v3 =	vor.u32 v3, v4  }
0x20: {  	v4 =	vperm.xlane v3, v0;
	_ =	sdelay $0x1  }
0x21: {  	v4 =	vadd.s32 v1, v4;
	_ =	sdelay $0x3  }
0x22: {  	s2 =	simm.s32 $0x200;
	v3 =	vperm.xlane v3, v2  }
0x23: {  	[tilespmem:s2], [sflag:$0x1] =	stream.indirect_vreg.gather [hbm4b:s1+s3], $0x80, v4, vm0, $0xb8;
	[tilespmem:$0x18200] =	vst v63  }
0x24: {  	v3 =	vadd.s32 v1, v3  }
0x25: {  	[tilespmem:s15], [sflag:$0x1] =	stream.indirect_vreg.gather [hbm4b:s5+s3], $0x80, v4, vm0, $0xb8;
	[tilespmem:$0x18200] =	vst v63  }
0x26: {  	_ = 	snop  }
0x27: {  	[tilespmem:s16], [sflag:$0x1] =	stream.indirect_vreg.gather [hbm4b:s6+s3], $0x80, v4, vm0, $0xb8;
	[tilespmem:$0x18200] =	vst v63  }
0x28: {  	_ = 	snop  }
0x29: {  	[tilespmem:s17], [sflag:$0x1] =	stream.indirect_vreg.gather [hbm4b:s1+s3], $0x80, v3, vm0, $0xb8;
	[tilespmem:$0x18200] =	vst v63  }
0x2a: {  	_ = 	snop  }
0x2b: {  	[tilespmem:s18], [sflag:$0x1] =	stream.indirect_vreg.gather [hbm4b:s5+s3], $0x80, v3, vm0, $0xb8;
	[tilespmem:$0x18200] =	vst v63  }
0x2c: {  	_ = 	snop  }
0x2d: {  	[tilespmem:s19], [sflag:$0x1] =	stream.indirect_vreg.gather [hbm4b:s6+s3], $0x80, v3, vm0, $0xb8;
	[tilespmem:$0x18200] =	vst v63  }
0x2e: {  	v3 =	vld [tilespmem:$0x10];
	_ =	sdelay $0x4  }
0x2f: {  	v49 =	vshrl.u32 v3, $0x3  }
0x30: {  	v4 =	vmul.u32 $0x30, v49  }
0x31: {  	v3 =	vand.u32 $0x7, v3  }
0x32: {  	v3 =	vor.u32 v3, v4  }
0x33: {  	v4 =	vperm.xlane v3, v0;
	_ =	sdelay $0x1  }
0x34: {  	v4 =	vadd.s32 v1, v4;
	_ =	sdelay $0x3  }
0x35: {  	v3 =	vperm.xlane v3, v2  }
0x36: {  	[tilespmem:s20], [sflag:$0x1] =	stream.indirect_vreg.gather [hbm4b:s1+s3], $0x80, v4, vm0, $0xb8;
	[tilespmem:$0x18200] =	vst v63  }
0x37: {  	v3 =	vadd.s32 v1, v3  }
0x38: {  	[tilespmem:s21], [sflag:$0x1] =	stream.indirect_vreg.gather [hbm4b:s5+s3], $0x80, v4, vm0, $0xb8;
	[tilespmem:$0x18200] =	vst v63  }
0x39: {  	_ = 	snop  }
0x3a: {  	[tilespmem:s22], [sflag:$0x1] =	stream.indirect_vreg.gather [hbm4b:s6+s3], $0x80, v4, vm0, $0xb8;
	[tilespmem:$0x18200] =	vst v63  }
0x3b: {  	_ = 	snop  }
0x3c: {  	[tilespmem:s23], [sflag:$0x1] =	stream.indirect_vreg.gather [hbm4b:s1+s3], $0x80, v3, vm0, $0xb8;
	[tilespmem:$0x18200] =	vst v63  }
0x3d: {  	_ = 	snop  }
0x3e: {  	[tilespmem:s24], [sflag:$0x1] =	stream.indirect_vreg.gather [hbm4b:s5+s3], $0x80, v3, vm0, $0xb8;
	[tilespmem:$0x18200] =	vst v63  }
0x3f: {  	_ = 	snop  }
0x40: {  	[tilespmem:s25], [sflag:$0x1] =	stream.indirect_vreg.gather [hbm4b:s6+s3], $0x80, v3, vm0, $0xb8;
	[tilespmem:$0x18200] =	vst v63  }
0x41: {  	v3 =	vld [tilespmem:$0x20];
	_ =	sdelay $0x4  }
0x42: {  	v50 =	vshrl.u32 v3, $0x3  }
0x43: {  	v4 =	vmul.u32 $0x30, v50  }
0x44: {  	v3 =	vand.u32 $0x7, v3  }
0x45: {  	v3 =	vor.u32 v3, v4  }
0x46: {  	v4 =	vperm.xlane v3, v0;
	_ =	sdelay $0x1  }
0x47: {  	v4 =	vadd.s32 v1, v4;
	_ =	sdelay $0x3  }
0x48: {  	v3 =	vperm.xlane v3, v2  }
0x49: {  	[tilespmem:s26], [sflag:$0x1] =	stream.indirect_vreg.gather [hbm4b:s1+s3], $0x80, v4, vm0, $0xb8;
	[tilespmem:$0x18200] =	vst v63  }
0x4a: {  	v3 =	vadd.s32 v1, v3  }
0x4b: {  	[tilespmem:s28], [sflag:$0x1] =	stream.indirect_vreg.gather [hbm4b:s5+s3], $0x80, v4, vm0, $0xb8;
	[tilespmem:$0x18200] =	vst v63  }
0x4c: {  	_ = 	snop  }
0x4d: {  	[tilespmem:s29], [sflag:$0x1] =	stream.indirect_vreg.gather [hbm4b:s6+s3], $0x80, v4, vm0, $0xb8;
	[tilespmem:$0x18200] =	vst v63  }
0x4e: {  	_ = 	snop  }
0x4f: {  	[tilespmem:s30], [sflag:$0x1] =	stream.indirect_vreg.gather [hbm4b:s1+s3], $0x80, v3, vm0, $0xb8;
	[tilespmem:$0x18200] =	vst v63  }
0x50: {  	_ = 	snop  }
0x51: {  	[tilespmem:s31], [sflag:$0x1] =	stream.indirect_vreg.gather [hbm4b:s5+s3], $0x80, v3, vm0, $0xb8;
	[tilespmem:$0x18200] =	vst v63  }
0x52: {  	s4 =	simm.s32 $0x8A00  }
0x53: {  	[tilespmem:s4], [sflag:$0x1] =	stream.indirect_vreg.gather [hbm4b:s6+s3], $0x80, v3, vm0, $0xb8;
	[tilespmem:$0x18200] =	vst v63  }
0x54: {  	v3 =	vld [tilespmem:$0x30];
	_ =	sdelay $0x4  }
0x55: {  	v51 =	vshrl.u32 v3, $0x3  }
0x56: {  	v4 =	vmul.u32 $0x30, v51  }
0x57: {  	v3 =	vand.u32 $0x7, v3  }
0x58: {  	v3 =	vor.u32 v3, v4  }
0x59: {  	v4 =	vperm.xlane v3, v0;
	_ =	sdelay $0x1  }
0x5a: {  	v4 =	vadd.s32 v1, v4;
	_ =	sdelay $0x3  }
0x5b: {  	s2 =	simm.s32 $0x9200;
	v3 =	vperm.xlane v3, v2  }
0x5c: {  	[tilespmem:s2], [sflag:$0x1] =	stream.indirect_vreg.gather [hbm4b:s1+s3], $0x80, v4, vm0, $0xb8;
	[tilespmem:$0x18200] =	vst v63  }
0x5d: {  	s7 =	simm.s32 $0x9A00;
	v3 =	vadd.s32 v1, v3  }
0x5e: {  	[tilespmem:s7], [sflag:$0x1] =	stream.indirect_vreg.gather [hbm4b:s5+s3], $0x80, v4, vm0, $0xb8;
	[tilespmem:$0x18200] =	vst v63  }
0x5f: {  	_ = 	snop  }
0x60: {  	[tilespmem:s9], [sflag:$0x1] =	stream.indirect_vreg.gather [hbm4b:s6+s3], $0x80, v4, vm0, $0xb8;
	[tilespmem:$0x18200] =	vst v63  }
0x61: {  	s4 =	simm.s32 $0xAA00  }
0x62: {  	[tilespmem:s4], [sflag:$0x1] =	stream.indirect_vreg.gather [hbm4b:s1+s3], $0x80, v3, vm0, $0xb8;
	[tilespmem:$0x18200] =	vst v63  }
0x63: {  	_ = 	snop  }
0x64: {  	[tilespmem:s10], [sflag:$0x1] =	stream.indirect_vreg.gather [hbm4b:s5+s3], $0x80, v3, vm0, $0xb8;
	[tilespmem:$0x18200] =	vst v63  }
0x65: {  	_ = 	snop  }
0x66: {  	[tilespmem:s11], [sflag:$0x1] =	stream.indirect_vreg.gather [hbm4b:s6+s3], $0x80, v3, vm0, $0xb8;
	[tilespmem:$0x18200] =	vst v63  }
0x67: {  	v3 =	vld [tilespmem:$0x80];
	_ =	sdelay $0x4  }
0x68: {  	v52 =	vshrl.u32 v3, $0x3  }
0x69: {  	v4 =	vmul.u32 $0x30, v52  }
0x6a: {  	v3 =	vand.u32 $0x7, v3  }
0x6b: {  	v3 =	vor.u32 v3, v4  }
0x6c: {  	v4 =	vperm.xlane v3, v0;
	_ =	sdelay $0x1  }
0x6d: {  	v4 =	vadd.s32 v1, v4;
	_ =	sdelay $0x3  }
0x6e: {  	v3 =	vperm.xlane v3, v2  }
0x6f: {  	[tilespmem:s12], [sflag:$0x2] =	stream.indirect_vreg.gather [hbm4b:s1+s3], $0x80, v4, vm0, $0xb8;
	[tilespmem:$0x18200] =	vst v63  }
0x70: {  	s14 =	simm.s32 $0xCA00;
	v3 =	vadd.s32 v1, v3  }
0x71: {  	[tilespmem:s14], [sflag:$0x2] =	stream.indirect_vreg.gather [hbm4b:s5+s3], $0x80, v4, vm0, $0xb8;
	[tilespmem:$0x18200] =	vst v63  }
0x72: {  	s7 =	simm.s32 $0xD200  }
0x73: {  	[tilespmem:s7], [sflag:$0x2] =	stream.indirect_vreg.gather [hbm4b:s6+s3], $0x80, v4, vm0, $0xb8;
	[tilespmem:$0x18200] =	vst v63  }
0x74: {  	s14 =	simm.s32 $0xDA00  }
0x75: {  	[tilespmem:s14], [sflag:$0x2] =	stream.indirect_vreg.gather [hbm4b:s1+s3], $0x80, v3, vm0, $0xb8;
	[tilespmem:$0x18200] =	vst v63  }
0x76: {  	s7 =	simm.s32 $0xE200  }
0x77: {  	[tilespmem:s7], [sflag:$0x2] =	stream.indirect_vreg.gather [hbm4b:s5+s3], $0x80, v3, vm0, $0xb8;
	[tilespmem:$0x18200] =	vst v63  }
0x78: {  	s14 =	simm.s32 $0xEA00  }
0x79: {  	[tilespmem:s14], [sflag:$0x2] =	stream.indirect_vreg.gather [hbm4b:s6+s3], $0x80, v3, vm0, $0xb8;
	[tilespmem:$0x18200] =	vst v63  }
0x7a: {  	v3 =	vld [tilespmem:$0x90];
	_ =	sdelay $0x4  }
0x7b: {  	v53 =	vshrl.u32 v3, $0x3  }
0x7c: {  	v4 =	vmul.u32 $0x30, v53  }
0x7d: {  	v3 =	vand.u32 $0x7, v3  }
0x7e: {  	v3 =	vor.u32 v3, v4  }
0x7f: {  	v4 =	vperm.xlane v3, v0;
	_ =	sdelay $0x1  }
0x80: {  	v4 =	vadd.s32 v1, v4;
	_ =	sdelay $0x3  }
0x81: {  	s7 =	simm.s32 $0xF200;
	v3 =	vperm.xlane v3, v2  }
0x82: {  	[tilespmem:s7], [sflag:$0x2] =	stream.indirect_vreg.gather [hbm4b:s1+s3], $0x80, v4, vm0, $0xb8;
	[tilespmem:$0x18200] =	vst v63  }
0x83: {  	s14 =	simm.s32 $0xFA00;
	v3 =	vadd.s32 v1, v3  }
0x84: {  	[tilespmem:s14], [sflag:$0x2] =	stream.indirect_vreg.gather [hbm4b:s5+s3], $0x80, v4, vm0, $0xb8;
	[tilespmem:$0x18200] =	vst v63  }
0x85: {  	s7 =	simm.s32 $0x10200  }
0x86: {  	[tilespmem:s7], [sflag:$0x2] =	stream.indirect_vreg.gather [hbm4b:s6+s3], $0x80, v4, vm0, $0xb8;
	[tilespmem:$0x18200] =	vst v63  }
0x87: {  	s14 =	simm.s32 $0x10A00  }
0x88: {  	[tilespmem:s14], [sflag:$0x2] =	stream.indirect_vreg.gather [hbm4b:s1+s3], $0x80, v3, vm0, $0xb8;
	[tilespmem:$0x18200] =	vst v63  }
0x89: {  	s7 =	simm.s32 $0x11200  }
0x8a: {  	[tilespmem:s7], [sflag:$0x2] =	stream.indirect_vreg.gather [hbm4b:s5+s3], $0x80, v3, vm0, $0xb8;
	[tilespmem:$0x18200] =	vst v63  }
0x8b: {  	s14 =	simm.s32 $0x11A00  }
0x8c: {  	[tilespmem:s14], [sflag:$0x2] =	stream.indirect_vreg.gather [hbm4b:s6+s3], $0x80, v3, vm0, $0xb8;
	[tilespmem:$0x18200] =	vst v63  }
0x8d: {  	v3 =	vld [tilespmem:$0xA0];
	_ =	sdelay $0x4  }
0x8e: {  	v54 =	vshrl.u32 v3, $0x3  }
0x8f: {  	v4 =	vmul.u32 $0x30, v54  }
0x90: {  	v3 =	vand.u32 $0x7, v3  }
0x91: {  	v3 =	vor.u32 v3, v4  }
0x92: {  	v4 =	vperm.xlane v3, v0;
	_ =	sdelay $0x1  }
0x93: {  	v4 =	vadd.s32 v1, v4;
	_ =	sdelay $0x3  }
0x94: {  	s7 =	simm.s32 $0x12200;
	v3 =	vperm.xlane v3, v2  }
0x95: {  	[tilespmem:s7], [sflag:$0x2] =	stream.indirect_vreg.gather [hbm4b:s1+s3], $0x80, v4, vm0, $0xb8;
	[tilespmem:$0x18200] =	vst v63  }
0x96: {  	s14 =	simm.s32 $0x12A00;
	v3 =	vadd.s32 v1, v3  }
0x97: {  	[tilespmem:s14], [sflag:$0x2] =	stream.indirect_vreg.gather [hbm4b:s5+s3], $0x80, v4, vm0, $0xb8;
	[tilespmem:$0x18200] =	vst v63  }
0x98: {  	s7 =	simm.s32 $0x13200  }
0x99: {  	[tilespmem:s7], [sflag:$0x2] =	stream.indirect_vreg.gather [hbm4b:s6+s3], $0x80, v4, vm0, $0xb8;
	[tilespmem:$0x18200] =	vst v63  }
0x9a: {  	s14 =	simm.s32 $0x13A00  }
0x9b: {  	[tilespmem:s14], [sflag:$0x2] =	stream.indirect_vreg.gather [hbm4b:s1+s3], $0x80, v3, vm0, $0xb8;
	[tilespmem:$0x18200] =	vst v63  }
0x9c: {  	s7 =	simm.s32 $0x14200  }
0x9d: {  	[tilespmem:s7], [sflag:$0x2] =	stream.indirect_vreg.gather [hbm4b:s5+s3], $0x80, v3, vm0, $0xb8;
	[tilespmem:$0x18200] =	vst v63  }
0x9e: {  	s14 =	simm.s32 $0x14A00  }
0x9f: {  	[tilespmem:s14], [sflag:$0x2] =	stream.indirect_vreg.gather [hbm4b:s6+s3], $0x80, v3, vm0, $0xb8;
	[tilespmem:$0x18200] =	vst v63  }
0xa0: {  	v3 =	vld [tilespmem:$0xB0];
	_ =	sdelay $0x4  }
0xa1: {  	v55 =	vshrl.u32 v3, $0x3  }
0xa2: {  	v4 =	vmul.u32 $0x30, v55  }
0xa3: {  	v3 =	vand.u32 $0x7, v3  }
0xa4: {  	v3 =	vor.u32 v3, v4  }
0xa5: {  	v4 =	vperm.xlane v3, v0;
	_ =	sdelay $0x1  }
0xa6: {  	v4 =	vadd.s32 v1, v4;
	_ =	sdelay $0x3  }
0xa7: {  	s7 =	simm.s32 $0x15200;
	v3 =	vperm.xlane v3, v2  }
0xa8: {  	[tilespmem:s7], [sflag:$0x2] =	stream.indirect_vreg.gather [hbm4b:s1+s3], $0x80, v4, vm0, $0xb8;
	[tilespmem:$0x18200] =	vst v63  }
0xa9: {  	s14 =	simm.s32 $0x15A00;
	v3 =	vadd.s32 v1, v3  }
0xaa: {  	[tilespmem:s14], [sflag:$0x2] =	stream.indirect_vreg.gather [hbm4b:s5+s3], $0x80, v4, vm0, $0xb8;
	[tilespmem:$0x18200] =	vst v63  }
0xab: {  	s7 =	simm.s32 $0x16200  }
0xac: {  	[tilespmem:s7], [sflag:$0x2] =	stream.indirect_vreg.gather [hbm4b:s6+s3], $0x80, v4, vm0, $0xb8;
	[tilespmem:$0x18200] =	vst v63  }
0xad: {  	s14 =	simm.s32 $0x16A00  }
0xae: {  	[tilespmem:s14], [sflag:$0x2] =	stream.indirect_vreg.gather [hbm4b:s1+s3], $0x80, v3, vm0, $0xb8;
	[tilespmem:$0x18200] =	vst v63  }
0xaf: {  	s7 =	simm.s32 $0x17200  }
0xb0: {  	[tilespmem:s7], [sflag:$0x2] =	stream.indirect_vreg.gather [hbm4b:s5+s3], $0x80, v3, vm0, $0xb8;
	[tilespmem:$0x18200] =	vst v63  }
0xb1: {  	s14 =	simm.s32 $0x17A00  }
0xb2: {  	[tilespmem:s14], [sflag:$0x2] =	stream.indirect_vreg.gather [hbm4b:s6+s3], $0x80, v3, vm0, $0xb8;
	[tilespmem:$0x18200] =	vst v63  }
0xb3: {  	_ =	swait.ge [sflag:s13], $0xC000  }
0xb4: {  	[sflag:s13] =	ssyncset.done $0x0  }
0xb5: {  	s7 =	simm.s32 $0x200;
	s0 =	rddreg [dreg:$0x8];
	[sflag:s13] =	ssyncadd.s32 $0xFFFF4000  }
0xb6: {  	[hbm4b:s0+s3] =	stream.linear.scatter [tilespmem:s7], [sflag:$0x3], $0xC000, $0x38;
	[tilespmem:$0x18200] =	vst v63  }
0xb7: {  	s0 =	simm.s32 $0x3  }
0xb8: {  	_ =	swait.ge [sflag:s0], $0xC000  }
0xb9: {  	[sflag:s0] =	ssyncset.done $0x0  }
0xba: {  	[sflag:s0] =	ssyncadd.s32 $0xFFFF4000  }
0xbb: {  	v3 =	vld [tilespmem:$0x100];
	_ =	sdelay $0x4  }
0xbc: {  	v56 =	vshrl.u32 v3, $0x3  }
0xbd: {  	v4 =	vmul.u32 $0x30, v56  }
0xbe: {  	v3 =	vand.u32 $0x7, v3  }
0xbf: {  	v3 =	vor.u32 v3, v4  }
0xc0: {  	v4 =	vperm.xlane v3, v0;
	_ =	sdelay $0x1  }
0xc1: {  	v4 =	vadd.s32 v1, v4;
	_ =	sdelay $0x3  }
0xc2: {  	v3 =	vperm.xlane v3, v2  }
0xc3: {  	[tilespmem:s7], [sflag:$0x1] =	stream.indirect_vreg.gather [hbm4b:s1+s3], $0x80, v4, vm0, $0xb8;
	[tilespmem:$0x18200] =	vst v63  }
0xc4: {  	v3 =	vadd.s32 v1, v3  }
0xc5: {  	[tilespmem:s15], [sflag:$0x1] =	stream.indirect_vreg.gather [hbm4b:s5+s3], $0x80, v4, vm0, $0xb8;
	[tilespmem:$0x18200] =	vst v63  }
0xc6: {  	_ = 	snop  }
0xc7: {  	[tilespmem:s16], [sflag:$0x1] =	stream.indirect_vreg.gather [hbm4b:s6+s3], $0x80, v4, vm0, $0xb8;
	[tilespmem:$0x18200] =	vst v63  }
0xc8: {  	_ = 	snop  }
0xc9: {  	[tilespmem:s17], [sflag:$0x1] =	stream.indirect_vreg.gather [hbm4b:s1+s3], $0x80, v3, vm0, $0xb8;
	[tilespmem:$0x18200] =	vst v63  }
0xca: {  	_ = 	snop  }
0xcb: {  	[tilespmem:s18], [sflag:$0x1] =	stream.indirect_vreg.gather [hbm4b:s5+s3], $0x80, v3, vm0, $0xb8;
	[tilespmem:$0x18200] =	vst v63  }
0xcc: {  	_ = 	snop  }
0xcd: {  	[tilespmem:s19], [sflag:$0x1] =	stream.indirect_vreg.gather [hbm4b:s6+s3], $0x80, v3, vm0, $0xb8;
	[tilespmem:$0x18200] =	vst v63  }
0xce: {  	v3 =	vld [tilespmem:$0x110];
	_ =	sdelay $0x4  }
0xcf: {  	v57 =	vshrl.u32 v3, $0x3  }
0xd0: {  	v4 =	vmul.u32 $0x30, v57  }
0xd1: {  	v3 =	vand.u32 $0x7, v3  }
0xd2: {  	v3 =	vor.u32 v3, v4  }
0xd3: {  	v4 =	vperm.xlane v3, v0;
	_ =	sdelay $0x1  }
0xd4: {  	v4 =	vadd.s32 v1, v4;
	_ =	sdelay $0x3  }
0xd5: {  	v3 =	vperm.xlane v3, v2  }
0xd6: {  	[tilespmem:s20], [sflag:$0x1] =	stream.indirect_vreg.gather [hbm4b:s1+s3], $0x80, v4, vm0, $0xb8;
	[tilespmem:$0x18200] =	vst v63  }
0xd7: {  	v3 =	vadd.s32 v1, v3  }
0xd8: {  	[tilespmem:s21], [sflag:$0x1] =	stream.indirect_vreg.gather [hbm4b:s5+s3], $0x80, v4, vm0, $0xb8;
	[tilespmem:$0x18200] =	vst v63  }
0xd9: {  	_ = 	snop  }
0xda: {  	[tilespmem:s22], [sflag:$0x1] =	stream.indirect_vreg.gather [hbm4b:s6+s3], $0x80, v4, vm0, $0xb8;
	[tilespmem:$0x18200] =	vst v63  }
0xdb: {  	_ = 	snop  }
0xdc: {  	[tilespmem:s23], [sflag:$0x1] =	stream.indirect_vreg.gather [hbm4b:s1+s3], $0x80, v3, vm0, $0xb8;
	[tilespmem:$0x18200] =	vst v63  }
0xdd: {  	_ = 	snop  }
0xde: {  	[tilespmem:s24], [sflag:$0x1] =	stream.indirect_vreg.gather [hbm4b:s5+s3], $0x80, v3, vm0, $0xb8;
	[tilespmem:$0x18200] =	vst v63  }
0xdf: {  	_ = 	snop  }
0xe0: {  	[tilespmem:s25], [sflag:$0x1] =	stream.indirect_vreg.gather [hbm4b:s6+s3], $0x80, v3, vm0, $0xb8;
	[tilespmem:$0x18200] =	vst v63  }
0xe1: {  	v3 =	vld [tilespmem:$0x120];
	_ =	sdelay $0x4  }
0xe2: {  	v58 =	vshrl.u32 v3, $0x3  }
0xe3: {  	v4 =	vmul.u32 $0x30, v58  }
0xe4: {  	v3 =	vand.u32 $0x7, v3  }
0xe5: {  	v3 =	vor.u32 v3, v4  }
0xe6: {  	v4 =	vperm.xlane v3, v0;
	_ =	sdelay $0x1  }
0xe7: {  	v4 =	vadd.s32 v1, v4;
	_ =	sdelay $0x3  }
0xe8: {  	v3 =	vperm.xlane v3, v2  }
0xe9: {  	[tilespmem:s26], [sflag:$0x1] =	stream.indirect_vreg.gather [hbm4b:s1+s3], $0x80, v4, vm0, $0xb8;
	[tilespmem:$0x18200] =	vst v63  }
0xea: {  	v3 =	vadd.s32 v1, v3  }
0xeb: {  	[tilespmem:s28], [sflag:$0x1] =	stream.indirect_vreg.gather [hbm4b:s5+s3], $0x80, v4, vm0, $0xb8;
	[tilespmem:$0x18200] =	vst v63  }
0xec: {  	_ = 	snop  }
0xed: {  	[tilespmem:s29], [sflag:$0x1] =	stream.indirect_vreg.gather [hbm4b:s6+s3], $0x80, v4, vm0, $0xb8;
	[tilespmem:$0x18200] =	vst v63  }
0xee: {  	_ = 	snop  }
0xef: {  	[tilespmem:s30], [sflag:$0x1] =	stream.indirect_vreg.gather [hbm4b:s1+s3], $0x80, v3, vm0, $0xb8;
	[tilespmem:$0x18200] =	vst v63  }
0xf0: {  	_ = 	snop  }
0xf1: {  	[tilespmem:s31], [sflag:$0x1] =	stream.indirect_vreg.gather [hbm4b:s5+s3], $0x80, v3, vm0, $0xb8;
	[tilespmem:$0x18200] =	vst v63  }
0xf2: {  	s14 =	simm.s32 $0x8A00  }
0xf3: {  	[tilespmem:s14], [sflag:$0x1] =	stream.indirect_vreg.gather [hbm4b:s6+s3], $0x80, v3, vm0, $0xb8;
	[tilespmem:$0x18200] =	vst v63  }
0xf4: {  	v3 =	vld [tilespmem:$0x130];
	_ =	sdelay $0x4  }
0xf5: {  	v59 =	vshrl.u32 v3, $0x3  }
0xf6: {  	v4 =	vmul.u32 $0x30, v59  }
0xf7: {  	v3 =	vand.u32 $0x7, v3  }
0xf8: {  	v3 =	vor.u32 v3, v4  }
0xf9: {  	v4 =	vperm.xlane v3, v0;
	_ =	sdelay $0x1  }
0xfa: {  	v4 =	vadd.s32 v1, v4;
	_ =	sdelay $0x3  }
0xfb: {  	v3 =	vperm.xlane v3, v2  }
0xfc: {  	[tilespmem:s2], [sflag:$0x1] =	stream.indirect_vreg.gather [hbm4b:s1+s3], $0x80, v4, vm0, $0xb8;
	[tilespmem:$0x18200] =	vst v63  }
0xfd: {  	s14 =	simm.s32 $0x9A00;
	v3 =	vadd.s32 v1, v3  }
0xfe: {  	[tilespmem:s14], [sflag:$0x1] =	stream.indirect_vreg.gather [hbm4b:s5+s3], $0x80, v4, vm0, $0xb8;
	[tilespmem:$0x18200] =	vst v63  }
0xff: {  	_ = 	snop  }
0x100: {  	[tilespmem:s9], [sflag:$0x1] =	stream.indirect_vreg.gather [hbm4b:s6+s3], $0x80, v4, vm0, $0xb8;
	[tilespmem:$0x18200] =	vst v63  }
0x101: {  	_ = 	snop  }
0x102: {  	[tilespmem:s4], [sflag:$0x1] =	stream.indirect_vreg.gather [hbm4b:s1+s3], $0x80, v3, vm0, $0xb8;
	[tilespmem:$0x18200] =	vst v63  }
0x103: {  	_ = 	snop  }
0x104: {  	[tilespmem:s10], [sflag:$0x1] =	stream.indirect_vreg.gather [hbm4b:s5+s3], $0x80, v3, vm0, $0xb8;
	[tilespmem:$0x18200] =	vst v63  }
0x105: {  	s2 =	simm.s32 $0x2  }
0x106: {  	[tilespmem:s11], [sflag:$0x1] =	stream.indirect_vreg.gather [hbm4b:s6+s3], $0x80, v3, vm0, $0xb8;
	[tilespmem:$0x18200] =	vst v63  }
0x107: {  	_ =	swait.ge [sflag:s2], $0xC000  }
0x108: {  	[sflag:s2] =	ssyncset.done $0x0  }
0x109: {  	s4 =	simm.s32 $0x4;
	s7 =	rddreg [dreg:$0x5];
	[sflag:s2] =	ssyncadd.s32 $0xFFFF4000  }
0x10a: {  	[hbm4b:s7+s3] =	stream.linear.scatter [tilespmem:s12], [sflag:$0x4], $0xC000, $0x38;
	[tilespmem:$0x18200] =	vst v63  }
0x10b: {  	_ =	swait.ge [sflag:s4], $0xC000  }
0x10c: {  	[sflag:s4] =	ssyncset.done $0x0  }
0x10d: {  	[sflag:s4] =	ssyncadd.s32 $0xFFFF4000  }
0x10e: {  	v3 =	vld [tilespmem:$0x180];
	_ =	sdelay $0x4  }
0x10f: {  	v60 =	vshrl.u32 v3, $0x3  }
0x110: {  	v4 =	vmul.u32 $0x30, v60  }
0x111: {  	v3 =	vand.u32 $0x7, v3  }
0x112: {  	v3 =	vor.u32 v3, v4  }
0x113: {  	v4 =	vperm.xlane v3, v0;
	_ =	sdelay $0x1  }
0x114: {  	v4 =	vadd.s32 v1, v4;
	_ =	sdelay $0x3  }
0x115: {  	v3 =	vperm.xlane v3, v2  }
0x116: {  	[tilespmem:s12], [sflag:$0x2] =	stream.indirect_vreg.gather [hbm4b:s1+s3], $0x80, v4, vm0, $0xb8;
	[tilespmem:$0x18200] =	vst v63  }
0x117: {  	s14 =	simm.s32 $0xCA00;
	v3 =	vadd.s32 v1, v3  }
0x118: {  	[tilespmem:s14], [sflag:$0x2] =	stream.indirect_vreg.gather [hbm4b:s5+s3], $0x80, v4, vm0, $0xb8;
	[tilespmem:$0x18200] =	vst v63  }
0x119: {  	s14 =	simm.s32 $0xD200  }
0x11a: {  	[tilespmem:s14], [sflag:$0x2] =	stream.indirect_vreg.gather [hbm4b:s6+s3], $0x80, v4, vm0, $0xb8;
	[tilespmem:$0x18200] =	vst v63  }
0x11b: {  	s14 =	simm.s32 $0xDA00  }
0x11c: {  	[tilespmem:s14], [sflag:$0x2] =	stream.indirect_vreg.gather [hbm4b:s1+s3], $0x80, v3, vm0, $0xb8;
	[tilespmem:$0x18200] =	vst v63  }
0x11d: {  	s14 =	simm.s32 $0xE200  }
0x11e: {  	[tilespmem:s14], [sflag:$0x2] =	stream.indirect_vreg.gather [hbm4b:s5+s3], $0x80, v3, vm0, $0xb8;
	[tilespmem:$0x18200] =	vst v63  }
0x11f: {  	s14 =	simm.s32 $0xEA00  }
0x120: {  	[tilespmem:s14], [sflag:$0x2] =	stream.indirect_vreg.gather [hbm4b:s6+s3], $0x80, v3, vm0, $0xb8;
	[tilespmem:$0x18200] =	vst v63  }
0x121: {  	v3 =	vld [tilespmem:$0x190];
	_ =	sdelay $0x4  }
0x122: {  	v61 =	vshrl.u32 v3, $0x3  }
0x123: {  	v4 =	vmul.u32 $0x30, v61  }
0x124: {  	v3 =	vand.u32 $0x7, v3  }
0x125: {  	v3 =	vor.u32 v3, v4  }
0x126: {  	v4 =	vperm.xlane v3, v0;
	_ =	sdelay $0x1  }
0x127: {  	v4 =	vadd.s32 v1, v4;
	_ =	sdelay $0x3  }
0x128: {  	s14 =	simm.s32 $0xF200;
	v3 =	vperm.xlane v3, v2  }
0x129: {  	[tilespmem:s14], [sflag:$0x2] =	stream.indirect_vreg.gather [hbm4b:s1+s3], $0x80, v4, vm0, $0xb8;
	[tilespmem:$0x18200] =	vst v63  }
0x12a: {  	v3 =	vadd.s32 v1, v3;
	s14 =	simm.s32 $0xFA00  }
0x12b: {  	[tilespmem:s14], [sflag:$0x2] =	stream.indirect_vreg.gather [hbm4b:s5+s3], $0x80, v4, vm0, $0xb8;
	[tilespmem:$0x18200] =	vst v63  }
0x12c: {  	s14 =	simm.s32 $0x10200  }
0x12d: {  	[tilespmem:s14], [sflag:$0x2] =	stream.indirect_vreg.gather [hbm4b:s6+s3], $0x80, v4, vm0, $0xb8;
	[tilespmem:$0x18200] =	vst v63  }
0x12e: {  	s14 =	simm.s32 $0x10A00  }
0x12f: {  	[tilespmem:s14], [sflag:$0x2] =	stream.indirect_vreg.gather [hbm4b:s1+s3], $0x80, v3, vm0, $0xb8;
	[tilespmem:$0x18200] =	vst v63  }
0x130: {  	s14 =	simm.s32 $0x11200  }
0x131: {  	[tilespmem:s14], [sflag:$0x2] =	stream.indirect_vreg.gather [hbm4b:s5+s3], $0x80, v3, vm0, $0xb8;
	[tilespmem:$0x18200] =	vst v63  }
0x132: {  	s14 =	simm.s32 $0x11A00  }
0x133: {  	[tilespmem:s14], [sflag:$0x2] =	stream.indirect_vreg.gather [hbm4b:s6+s3], $0x80, v3, vm0, $0xb8;
	[tilespmem:$0x18200] =	vst v63  }
0x134: {  	v3 =	vld [tilespmem:$0x1A0];
	_ =	sdelay $0x4  }
0x135: {  	v62 =	vshrl.u32 v3, $0x3  }
0x136: {  	v4 =	vmul.u32 $0x30, v62  }
0x137: {  	v3 =	vand.u32 $0x7, v3  }
0x138: {  	v3 =	vor.u32 v3, v4  }
0x139: {  	v4 =	vperm.xlane v3, v0;
	_ =	sdelay $0x1  }
0x13a: {  	v4 =	vadd.s32 v1, v4;
	_ =	sdelay $0x3  }
0x13b: {  	s14 =	simm.s32 $0x12200;
	v3 =	vperm.xlane v3, v2  }
0x13c: {  	[tilespmem:s14], [sflag:$0x2] =	stream.indirect_vreg.gather [hbm4b:s1+s3], $0x80, v4, vm0, $0xb8;
	[tilespmem:$0x18200] =	vst v63  }
0x13d: {  	v3 =	vadd.s32 v1, v3;
	s14 =	simm.s32 $0x12A00  }
0x13e: {  	[tilespmem:s14], [sflag:$0x2] =	stream.indirect_vreg.gather [hbm4b:s5+s3], $0x80, v4, vm0, $0xb8;
	[tilespmem:$0x18200] =	vst v63  }
0x13f: {  	s14 =	simm.s32 $0x13200  }
0x140: {  	[tilespmem:s14], [sflag:$0x2] =	stream.indirect_vreg.gather [hbm4b:s6+s3], $0x80, v4, vm0, $0xb8;
	[tilespmem:$0x18200] =	vst v63  }
0x141: {  	s14 =	simm.s32 $0x13A00  }
0x142: {  	[tilespmem:s14], [sflag:$0x2] =	stream.indirect_vreg.gather [hbm4b:s1+s3], $0x80, v3, vm0, $0xb8;
	[tilespmem:$0x18200] =	vst v63  }
0x143: {  	s14 =	simm.s32 $0x14200  }
0x144: {  	[tilespmem:s14], [sflag:$0x2] =	stream.indirect_vreg.gather [hbm4b:s5+s3], $0x80, v3, vm0, $0xb8;
	[tilespmem:$0x18200] =	vst v63  }
0x145: {  	s14 =	simm.s32 $0x14A00  }
0x146: {  	[tilespmem:s14], [sflag:$0x2] =	stream.indirect_vreg.gather [hbm4b:s6+s3], $0x80, v3, vm0, $0xb8;
	[tilespmem:$0x18200] =	vst v63  }
0x147: {  	v3 =	vld [tilespmem:$0x1B0];
	_ =	sdelay $0x4  }
0x148: {  	v63 =	vshrl.u32 v3, $0x3  }
0x149: {  	v4 =	vmul.u32 $0x30, v63  }
0x14a: {  	v3 =	vand.u32 $0x7, v3  }
0x14b: {  	v3 =	vor.u32 v3, v4  }
0x14c: {  	v4 =	vperm.xlane v3, v0;
	_ =	sdelay $0x1  }
0x14d: {  	v4 =	vadd.s32 v1, v4;
	_ =	sdelay $0x3  }
0x14e: {  	s14 =	simm.s32 $0x15200;
	v3 =	vperm.xlane v3, v2  }
0x14f: {  	[tilespmem:s14], [sflag:$0x2] =	stream.indirect_vreg.gather [hbm4b:s1+s3], $0x80, v4, vm0, $0xb8;
	[tilespmem:$0x18200] =	vst v63  }
0x150: {  	v3 =	vadd.s32 v1, v3;
	s14 =	simm.s32 $0x15A00  }
0x151: {  	[tilespmem:s14], [sflag:$0x2] =	stream.indirect_vreg.gather [hbm4b:s5+s3], $0x80, v4, vm0, $0xb8;
	[tilespmem:$0x18200] =	vst v63  }
0x152: {  	s14 =	simm.s32 $0x16200  }
0x153: {  	[tilespmem:s14], [sflag:$0x2] =	stream.indirect_vreg.gather [hbm4b:s6+s3], $0x80, v4, vm0, $0xb8;
	[tilespmem:$0x18200] =	vst v63  }
0x154: {  	s14 =	simm.s32 $0x16A00  }
0x155: {  	[tilespmem:s14], [sflag:$0x2] =	stream.indirect_vreg.gather [hbm4b:s1+s3], $0x80, v3, vm0, $0xb8;
	[tilespmem:$0x18200] =	vst v63  }
0x156: {  	s14 =	simm.s32 $0x17200  }
0x157: {  	[tilespmem:s14], [sflag:$0x2] =	stream.indirect_vreg.gather [hbm4b:s5+s3], $0x80, v3, vm0, $0xb8;
	[tilespmem:$0x18200] =	vst v63  }
0x158: {  	s14 =	simm.s32 $0x17A00  }
0x159: {  	[tilespmem:s14], [sflag:$0x2] =	stream.indirect_vreg.gather [hbm4b:s6+s3], $0x80, v3, vm0, $0xb8;
	[tilespmem:$0x18200] =	vst v63  }
0x15a: {  	_ =	swait.ge [sflag:s13], $0xC000  }
0x15b: {  	[sflag:s13] =	ssyncset.done $0x0  }
0x15c: {  	s7 =	simm.s32 $0x200;
	s14 =	rddreg [dreg:$0x6];
	[sflag:s13] =	ssyncadd.s32 $0xFFFF4000  }
0x15d: {  	[hbm4b:s14+s3] =	stream.linear.scatter [tilespmem:s7], [sflag:$0x3], $0xC000, $0x38;
	[tilespmem:$0x18200] =	vst v63  }
0x15e: {  	_ =	swait.ge [sflag:s2], $0xC000  }
0x15f: {  	[sflag:s2] =	ssyncset.done $0x0  }
0x160: {  	s7 =	rddreg [dreg:$0x7];
	[sflag:s2] =	ssyncadd.s32 $0xFFFF4000  }
0x161: {  	[hbm4b:s7+s3] =	stream.linear.scatter [tilespmem:s12], [sflag:$0x4], $0xC000, $0x38;
	[tilespmem:$0x18200] =	vst v63  }
0x162: {  	p0 =	sne.s32 s8, $0x1;
	_ =	swait.ge [sflag:s0], $0xC000  }
.Ltmp0:
0x163: {  	[sflag:s0] =	ssyncset.done $0x0;
	(pc) =	sbr.rel @p0 .LBB2_1-.Ltmp0, $4  }
0x164: {  	[sflag:s0] =	ssyncadd.s32 $0xFFFF4000  }
0x165: {  	_ =	swait.ge [sflag:s4], $0xC000  }
0x166: {  	[sflag:s4] =	ssyncset.done $0x0  }
0x167: {  	s8 =	sadd.s32 $0xFFFFFFFF, s8;
	[sflag:s4] =	ssyncadd.s32 $0xFFFF4000  }
0x168: {  	_ =	sfence.sel $0x180000  }
0x169: {  	[bflag:$0x0] =	sbarrier.arrive $0xFFFF  }
0x16a: {  	_ =	strace $0x90000047  }
0x16b: {  	s0 =	stileid.u32;
	[bflag:$0x2] =	sbarrier.arrive $0xFFFF  }
0x16c: {  	p0 =	sne.s32 s0, $0x0;
	s0 =	rddreg [dreg:$0x3]  }
0x16d: {  	s0 =	sadd.s32 @!p0 $0x100000, s0  }
0x16e: {  	[sflag:s0] =	ssyncadd.tile.s32 @!p0 $0x1;
	_ =	shalt  }
.Lfunc_end2:
_tile_overlayer_lowered:
.L_overlay_start_2:
0x16f: {  	(tag) =	ssettag $0x2  }
0x170: {  	s0 =	rddreg [dreg:$0x0];
	s2 =	stileid.u32  }
0x171: {  	s1 =	rddreg [dreg:$0x1];
	p0 =	sne.s32 s2, $0x0  }
0x172: {  	s3 =	rddreg [dreg:$0x2];
	[bflag:$0x3] =	sbarrier.arrive $0xFFFF;
	s2 =	simm.s32 @!p0 $0x1C05  }
0x173: {  	[timem:s3], [sflag:s2] =	dma.local @!p0 [hbm:s0], s1  }
0x174: {  	s0 =	simm.s32 @!p0 $0x5  }
0x175: {  	_ =	swait.ge @!p0 [sflag:s0], s1  }
0x176: {  	s1 =	ssub.s32 @!p0 $0x0, s1;
	[sflag:s0] =	ssyncset.done @!p0 $0x0  }
0x177: {  	[sflag:s0] =	ssyncadd.s32 @!p0 s1  }
0x178: {  	[bflag:$0x3] =	sbarrier.arrive $0xFFFF  }
0x179: {  	_ =	shalt  }

</sc_bundles>
